<compile_context>
chip_gen: v7x
topology: tpu7x:2x2x1
jax: 0.10.2.dev20260603
libtpu: 0.0.44.dev20260713+nightly
codegen_flags: <defaults>
</compile_context>

<pallas_src>
import functools

import jax
import jax.numpy as jnp
from jax import lax
from jax.experimental import pallas as pl
from jax.experimental.pallas import tpu as pltpu
from jax.experimental.pallas import tpu_sc as plsc

_GRP = 512
_NW = 32


def _pad_up(n, m):
    return (n + m - 1) // m * m


def _sc_deg_kernel(np_, epw, ngroups, stretch):
    mesh = plsc.VectorSubcoreMesh(core_axis_name="c", subcore_axis_name="s")

    @functools.partial(
        pl.kernel,
        out_type=jax.ShapeDtypeStruct((2 * np_,), jnp.float32),
        mesh=mesh,
        scratch_types=[
            pltpu.VMEM((_GRP,), jnp.int32),
            pltpu.VMEM((_GRP,), jnp.int32),
            pltpu.VMEM((_GRP,), jnp.float32),
            pltpu.VMEM_SHARED((np_,), jnp.float32),
            pltpu.SemaphoreType.DMA,
            pltpu.SemaphoreType.DMA,
        ],
        compiler_params=pltpu.CompilerParams(use_tc_tiling_on_sc=False),
    )
    def deg_kernel(dst_hbm, zeros_hbm, out_hbm, idx_a, idx_b, ones_v,
                   deg_sh, sem_a, sem_b):
        c = lax.axis_index("c")
        s = lax.axis_index("s")
        pltpu.sync_copy(zeros_hbm.at[pl.ds(s * stretch, stretch)],
                        deg_sh.at[pl.ds(s * stretch, stretch)])
        for j in range(_GRP // 16):
            ones_v[pl.ds(j * 16, 16)] = jnp.ones((16,), jnp.float32)
        plsc.subcore_barrier()
        w = c * 16 + s
        wg0 = w * ngroups

        def phase(g, cur_idx, nxt_idx, sem):
            d = pltpu.async_copy(ones_v, deg_sh.at[cur_idx], sem, add=True)
            @pl.when(g + 1 < ngroups)
            def _():
                pltpu.sync_copy(dst_hbm.at[wg0 + g + 1], nxt_idx)
            d.wait()

        pltpu.sync_copy(dst_hbm.at[wg0], idx_a)

        def body(i, carry):
            phase(2 * i, idx_a, idx_b, sem_a)
            phase(2 * i + 1, idx_b, idx_a, sem_b)
            return carry

        lax.fori_loop(0, ngroups // 2, body, 0)
        plsc.subcore_barrier()
        pltpu.sync_copy(deg_sh.at[pl.ds(s * stretch, stretch)],
                        out_hbm.at[pl.ds(c * np_ + s * stretch, stretch)])

    return deg_kernel


def _sc_msg_kernel(np_, epw, ngroups, stretch):
    mesh = plsc.VectorSubcoreMesh(core_axis_name="c", subcore_axis_name="s")

    @functools.partial(
        pl.kernel,
        out_type=jax.ShapeDtypeStruct((4 * np_,), jnp.float32),
        mesh=mesh,
        scratch_types=[
            pltpu.VMEM((_GRP,), jnp.int32),
            pltpu.VMEM((_GRP,), jnp.int32),
            pltpu.VMEM((_GRP,), jnp.int32),
            pltpu.VMEM((_GRP,), jnp.int32),
            pltpu.VMEM((_GRP,), jnp.float32),
            pltpu.VMEM((_GRP,), jnp.float32),
            pltpu.VMEM((_GRP,), jnp.float32),
            pltpu.VMEM((_GRP,), jnp.float32),
            pltpu.VMEM_SHARED((np_,), jnp.float32),
            pltpu.VMEM_SHARED((np_,), jnp.float32),
            pltpu.SemaphoreType.DMA,
            pltpu.SemaphoreType.DMA,
            pltpu.SemaphoreType.DMA,
            pltpu.SemaphoreType.DMA,
        ],
        compiler_params=pltpu.CompilerParams(use_tc_tiling_on_sc=False),
    )
    def msg_kernel(src_hbm, dst_hbm, y0_hbm, y1_hbm, zeros_hbm, out_hbm,
                   sidx_a, didx_a, sidx_b, didx_b, g0a, g1a, g0b, g1b,
                   s0_sh, s1_sh, semg_a, semg_b, sems_a, sems_b):
        c = lax.axis_index("c")
        s = lax.axis_index("s")
        pltpu.sync_copy(zeros_hbm.at[pl.ds(s * stretch, stretch)],
                        s0_sh.at[pl.ds(s * stretch, stretch)])
        pltpu.sync_copy(zeros_hbm.at[pl.ds(s * stretch, stretch)],
                        s1_sh.at[pl.ds(s * stretch, stretch)])
        plsc.subcore_barrier()
        w = c * 16 + s
        wg0 = w * ngroups

        def fire_gathers(sidx, g0, g1, semg):
            pltpu.async_copy(y0_hbm.at[sidx], g0, semg)
            pltpu.async_copy(y1_hbm.at[sidx], g1, semg)

        def phase(g, sidx, didx, g0, g1, semg, nsidx, ndidx, ng0, ng1, nsemg,
                  sems):
            @pl.when(g + 1 < ngroups)
            def _():
                pltpu.sync_copy(src_hbm.at[wg0 + g + 1], nsidx)
                pltpu.sync_copy(dst_hbm.at[wg0 + g + 1], ndidx)
                fire_gathers(nsidx, ng0, ng1, nsemg)
            pltpu.make_async_copy(y0_hbm.at[sidx], g0, semg).wait()
            pltpu.make_async_copy(y1_hbm.at[sidx], g1, semg).wait()
            d0 = pltpu.async_copy(g0, s0_sh.at[didx], sems, add=True)
            d1 = pltpu.async_copy(g1, s1_sh.at[didx], sems, add=True)
            d0.wait()
            d1.wait()

        pltpu.sync_copy(src_hbm.at[wg0], sidx_a)
        pltpu.sync_copy(dst_hbm.at[wg0], didx_a)
        fire_gathers(sidx_a, g0a, g1a, semg_a)

        def body(i, carry):
            phase(2 * i, sidx_a, didx_a, g0a, g1a, semg_a,
                  sidx_b, didx_b, g0b, g1b, semg_b, sems_a)
            phase(2 * i + 1, sidx_b, didx_b, g0b, g1b, semg_b,
                  sidx_a, didx_a, g0a, g1a, semg_a, sems_b)
            return carry

        lax.fori_loop(0, ngroups // 2, body, 0)
        plsc.subcore_barrier()
        base = c * 2 * np_
        pltpu.sync_copy(s0_sh.at[pl.ds(s * stretch, stretch)],
                        out_hbm.at[pl.ds(base + s * stretch, stretch)])
        pltpu.sync_copy(s1_sh.at[pl.ds(s * stretch, stretch)],
                        out_hbm.at[pl.ds(base + np_ + s * stretch, stretch)])

    return msg_kernel


def kernel(x, edge_index, W, b, gamma, beta, fcW, fcb):
    n, in_dim = x.shape
    out_dim = W.shape[1]
    e = edge_index.shape[1]

    np_ = _pad_up(n + 1, 2048)
    stretch = np_ // 16
    e_pad = _pad_up(e, _NW * _GRP * 2)
    epw = e_pad // _NW
    ngroups = epw // _GRP

    pad = e_pad - e
    if edge_index.dtype == jnp.int64:
        pairs = lax.bitcast_convert_type(edge_index, jnp.int32)
        s32, d32 = pairs[0, :, 0], pairs[1, :, 0]
    else:
        s32, d32 = edge_index[0], edge_index[1]
    src = jnp.concatenate([s32, jnp.zeros((pad,), jnp.int32)])
    dst = jnp.concatenate([d32, jnp.full((pad,), n, jnp.int32)])
    src = src.reshape(e_pad // _GRP, _GRP)
    dst = dst.reshape(e_pad // _GRP, _GRP)

    zeros1 = jnp.zeros((np_,), jnp.float32)

    deg_flat = _sc_deg_kernel(np_, epw, ngroups, stretch)(dst, zeros1)
    deg_parts = deg_flat.reshape(2, np_)

    xT = jnp.pad(x.T, ((0, 0), (0, np_ - n)))

    def prep_body(degp_ref, xT_ref, yT_ref, dinv_ref):
        dsum = degp_ref[0:1, :] + degp_ref[1:2, :] + 1.0
        dinv = lax.rsqrt(dsum)
        dinv_ref[...] = dinv
        yT_ref[...] = xT_ref[...] * dinv

    yT, dinv_row = pl.pallas_call(
        prep_body,
        out_shape=[jax.ShapeDtypeStruct((in_dim, np_), jnp.float32),
                   jax.ShapeDtypeStruct((1, np_), jnp.float32)],
    )(deg_parts, xT)
    y0 = yT[0]
    y1 = yT[1]

    s_flat = _sc_msg_kernel(np_, epw, ngroups, stretch)(src, dst, y0, y1, zeros1)
    sf = s_flat.reshape(4, np_)

    blk = 2048
    nblk = np_ // blk
    WT_col = W.T
    b_col = b.reshape(out_dim, 1)
    g_col = gamma.reshape(out_dim, 1)
    be_col = beta.reshape(out_dim, 1)
    fcb_row = fcb.reshape(1, out_dim)

    def _hT_block(sfr, yTr, dr, WTr, bcr):
        a0 = (sfr[0:1, :] + sfr[2:3, :] + yTr[0:1, :]) * dr[...]
        a1 = (sfr[1:2, :] + sfr[3:4, :] + yTr[1:2, :]) * dr[...]
        zT = a0 * WTr[:, 0:1] + a1 * WTr[:, 1:2] + bcr[...]
        return jnp.maximum(zT, 0.0)

    def stats_body(sfr, yTr, dr, WTr, bcr, mean_o, var_o, acc_s, acc_q):
        i = pl.program_id(0)
        hT = _hT_block(sfr, yTr, dr, WTr, bcr)
        lane = lax.broadcasted_iota(jnp.int32, (1, blk), 1) + i * blk
        hT = jnp.where(lane < n, hT, 0.0)
        ps = jnp.sum(hT, axis=1, keepdims=True)
        pq = jnp.sum(hT * hT, axis=1, keepdims=True)

        @pl.when(i == 0)
        def _():
            acc_s[...] = ps
            acc_q[...] = pq

        @pl.when(i > 0)
        def _():
            acc_s[...] += ps
            acc_q[...] += pq

        @pl.when(i == nblk - 1)
        def _():
            m = acc_s[...] * (1.0 / n)
            mean_o[...] = m
            var_o[...] = acc_q[...] * (1.0 / n) - m * m

    sf_spec = pl.BlockSpec((4, blk), lambda i: (0, i))
    yT_spec = pl.BlockSpec((in_dim, blk), lambda i: (0, i))
    dv_spec = pl.BlockSpec((1, blk), lambda i: (0, i))
    full = lambda shape: pl.BlockSpec(shape, lambda i: (0, 0))
    mean, var = pl.pallas_call(
        stats_body,
        grid=(nblk,),
        in_specs=[sf_spec, yT_spec, dv_spec,
                  full((out_dim, in_dim)), full((out_dim, 1))],
        out_specs=[full((out_dim, 1)), full((out_dim, 1))],
        out_shape=[jax.ShapeDtypeStruct((out_dim, 1), jnp.float32),
                   jax.ShapeDtypeStruct((out_dim, 1), jnp.float32)],
        scratch_shapes=[pltpu.VMEM((out_dim, 1), jnp.float32),
                        pltpu.VMEM((out_dim, 1), jnp.float32)],
        compiler_params=pltpu.CompilerParams(
            dimension_semantics=("arbitrary",)),
    )(sf, yT, dinv_row, WT_col, b_col)

    fcb_col = fcb.reshape(out_dim, 1)

    def out_body(sfr, yTr, dr, WTr, bcr, mr, vr, gr, ber, fcWr, fcbr,
                 o1, o2):
        hT = _hT_block(sfr, yTr, dr, WTr, bcr)
        scale = gr[...] * lax.rsqrt(vr[...] + 1e-5)
        hnT = (hT - mr[...]) * scale + ber[...]
        hfT = lax.dot_general(fcWr[...], hnT, (((0,), (0,)), ((), ())),
                              preferred_element_type=jnp.float32)
        hfT = hfT + fcbr[...]
        o2[...] = hfT
        m = jnp.max(hfT, axis=0, keepdims=True)
        shifted = hfT - m
        lse = jnp.log(jnp.sum(jnp.exp(shifted), axis=0, keepdims=True))
        o1[...] = shifted - lse

    out_spec = pl.BlockSpec((out_dim, blk), lambda i: (0, i))
    out1T, out2T = pl.pallas_call(
        out_body,
        grid=(nblk,),
        in_specs=[sf_spec, yT_spec, dv_spec,
                  full((out_dim, in_dim)), full((out_dim, 1)),
                  full((out_dim, 1)), full((out_dim, 1)),
                  full((out_dim, 1)), full((out_dim, 1)),
                  full((out_dim, out_dim)), full((out_dim, 1))],
        out_specs=[out_spec, out_spec],
        out_shape=[jax.ShapeDtypeStruct((out_dim, n), jnp.float32),
                   jax.ShapeDtypeStruct((out_dim, n), jnp.float32)],
        compiler_params=pltpu.CompilerParams(
            dimension_semantics=("arbitrary",)),
    )(sf, yT, dinv_row, WT_col, b_col, mean, var, g_col, be_col,
      fcW, fcb_col)
    return out1T.T, out2T.T

# --- scband reference (transcript-rebuilt; emitter-appended) ---
"""Pipeline reference for scband-map-graph-net-16217796510182 (READ-ONLY COPY).

The authoritative reference and input builder live on the scoring server;
editing this copy changes nothing except your own understanding.
"""

import jax, jax.numpy as jnp
import numpy as np

N_NODES = 100000
N_EDGES = 1600000
IN_DIM = 2
OUT_DIM = 214  # dataset == 'icube'


def setup_inputs(seed: int = 0) -> dict:
    key = jax.random.key(seed)
    k_x, k_e, k_w, k_b, k_fw, k_fb = jax.random.split(key, 6)
    x = jax.random.normal(k_x, (N_NODES, IN_DIM), dtype=jnp.float32)
    edge_index = jax.random.randint(k_e, (2, N_EDGES), 0, N_NODES, dtype=jnp.int64)
    # GCNConv parameters
    W = jax.random.normal(k_w, (IN_DIM, OUT_DIM), dtype=jnp.float32) * 0.1
    b = jax.random.normal(k_b, (OUT_DIM,), dtype=jnp.float32) * 0.1
    # BatchNorm1d affine parameters
    gamma = jnp.ones((OUT_DIM,), dtype=jnp.float32)
    beta = jnp.zeros((OUT_DIM,), dtype=jnp.float32)
    # fc1 Linear parameters
    fcW = jax.random.normal(k_fw, (OUT_DIM, OUT_DIM), dtype=jnp.float32) * 0.05
    fcb = jax.random.normal(k_fb, (OUT_DIM,), dtype=jnp.float32) * 0.05
    return {"x": x, "edge_index": edge_index, "W": W, "b": b,
            "gamma": gamma, "beta": beta, "fcW": fcW, "fcb": fcb}


def _gcn_conv(x, edge_index, W, b):
    # GCNConv: D^{-1/2} (A + I) D^{-1/2} X W + b
    N = x.shape[0]
    loop = jnp.arange(N, dtype=edge_index.dtype)
    src = jnp.concatenate([edge_index[0], loop])
    dst = jnp.concatenate([edge_index[1], loop])
    h = x @ W  # [N, OUT_DIM]
    deg = jnp.zeros((N,), dtype=h.dtype).at[dst].add(1.0)
    dinv = 1.0 / jnp.sqrt(jnp.maximum(deg, 1.0))
    norm = dinv[src] * dinv[dst]  # [E+N]
    msg = h[src] * norm[:, None]  # gather (memory-bound)
    agg = jnp.zeros_like(h).at[dst].add(msg)  # scatter-add
    return agg + b


def reference(x, edge_index, W, b, gamma, beta, fcW, fcb):
    h = _gcn_conv(x, edge_index, W, b)
    h = jax.nn.relu(h)
    # BatchNorm1d with batch statistics (training-mode math; biased variance as torch)
    mean = jnp.mean(h, axis=0)
    var = jnp.mean((h - mean) ** 2, axis=0)
    h = (h - mean) / jnp.sqrt(var + 1e-5) * gamma + beta
    # dropout is identity in eval mode
    h = h @ fcW + fcb
    return jax.nn.log_softmax(h, axis=1), h

if __name__ == "__main__":
    import jax
    _d = setup_inputs()
    print(jax.jit(kernel)(*tuple(_d.values())))

</pallas_src>

<mosaic_0001>
#map = affine_map<(d0, d1) -> (0, 0)>
#map1 = affine_map<(d0, d1) -> (0)>
module attributes {stable_mosaic.version = 14 : i64} {
  func.func @deg_kernel(%arg0: i32, %arg1: i32, %arg2: memref<3136x512xi32, #tpu.memory_space<hbm>>, %arg3: memref<100352xf32, #tpu.memory_space<hbm>>, %arg4: memref<200704xf32, #tpu.memory_space<hbm>>, %arg5: memref<512xi32, #tpu.memory_space<vmem>>, %arg6: memref<512xi32, #tpu.memory_space<vmem>>, %arg7: memref<512xf32, #tpu.memory_space<vmem>>, %arg8: memref<100352xf32, #tpu.memory_space<vmem_shared>>, %arg9: memref<!tpu.dma_semaphore, #tpu.memory_space<semaphore_mem>>, %arg10: memref<!tpu.dma_semaphore, #tpu.memory_space<semaphore_mem>>) attributes {dimension_semantics = [#tpu.dimension_semantics<core_parallel>, #tpu.dimension_semantics<subcore_parallel>], iteration_bounds = array<i64: 2, 16>, scalar_prefetch = 0 : i64, scratch_operands = 6 : i64, tpu.core_type = #tpu.core_type<sc_vector_subcore>, window_params = [{transform_indices = #map}, {transform_indices = #map1}, {transform_indices = #map1}]} {
    %mul3A = arith.constant 6272 : i32
    %mul3A_0 = arith.muli %arg1, %mul3A : i32
    %mul3A_1 = arith.constant 6272 : i32
    %mul3A_2 = arith.muli %arg1, %mul3A_1 : i32
    "tpu.region"() ({
      %run_scoped3A = tpu.sem_alloc : memref<!tpu.dma_semaphore, #tpu.memory_space<semaphore_mem>>
      %dma_start3A = tpu.memref_slice %arg8[%mul3A_2] : memref<100352xf32, #tpu.memory_space<vmem_shared>> -> memref<6272xf32, #tpu.memory_space<vmem_shared>>
      %dma_start3A_210 = tpu.memref_slice %arg3[%mul3A_0] : memref<100352xf32, #tpu.memory_space<hbm>> -> memref<6272xf32, #tpu.memory_space<hbm>>
      tpu.enqueue_dma source(%dma_start3A_210 : memref<6272xf32, #tpu.memory_space<hbm>>) target(%dma_start3A : memref<6272xf32, #tpu.memory_space<vmem_shared>>) target_semaphore(%run_scoped3A : memref<!tpu.dma_semaphore, #tpu.memory_space<semaphore_mem>>)
      %dma_wait3A = tpu.memref_slice %arg8[%mul3A_2] : memref<100352xf32, #tpu.memory_space<vmem_shared>> -> memref<6272xf32, #tpu.memory_space<vmem_shared>>
      %dma_wait3A_211 = tpu.memref_slice %arg3[%mul3A_0] : memref<100352xf32, #tpu.memory_space<hbm>> -> memref<6272xf32, #tpu.memory_space<hbm>>
      tpu.wait_dma2 semaphore(%run_scoped3A : memref<!tpu.dma_semaphore, #tpu.memory_space<semaphore_mem>>) src(%dma_wait3A_211 : memref<6272xf32, #tpu.memory_space<hbm>>) dst(%dma_wait3A : memref<6272xf32, #tpu.memory_space<vmem_shared>>)
      tpu.yield
    }) : () -> ()
    %broadcast_in_dim3A = arith.constant 1.000000e+00 : f32
    %broadcast_in_dim3A_3 = vector.broadcast %broadcast_in_dim3A : f32 to vector<16xf32>
    %swap3A = arith.constant 0 : index
    %swap3A_4 = tpu.vector_load %arg7[%swap3A] {strides = array<i32>} : memref<512xf32, #tpu.memory_space<vmem>>, vector<16xf32>,
    %swap3A_5 = vector.shape_cast %swap3A_4 : vector<16xf32> to vector<16xf32>
    %swap3A_6 = vector.shape_cast %broadcast_in_dim3A_3 : vector<16xf32> to vector<16xf32>
    tpu.vector_store %arg7[%swap3A], %swap3A_6 {strides = array<i32>} : memref<512xf32, #tpu.memory_space<vmem>>, vector<16xf32>,
    %broadcast_in_dim3A_7 = arith.constant 1.000000e+00 : f32
    %broadcast_in_dim3A_8 = vector.broadcast %broadcast_in_dim3A_7 : f32 to vector<16xf32>
    %swap3A_9 = arith.constant 16 : index
    %swap3A_10 = tpu.vector_load %arg7[%swap3A_9] {strides = array<i32>} : memref<512xf32, #tpu.memory_space<vmem>>, vector<16xf32>,
    %swap3A_11 = vector.shape_cast %swap3A_10 : vector<16xf32> to vector<16xf32>
    %swap3A_12 = vector.shape_cast %broadcast_in_dim3A_8 : vector<16xf32> to vector<16xf32>
    tpu.vector_store %arg7[%swap3A_9], %swap3A_12 {strides = array<i32>} : memref<512xf32, #tpu.memory_space<vmem>>, vector<16xf32>,
    %broadcast_in_dim3A_13 = arith.constant 1.000000e+00 : f32
    %broadcast_in_dim3A_14 = vector.broadcast %broadcast_in_dim3A_13 : f32 to vector<16xf32>
    %swap3A_15 = arith.constant 32 : index
    %swap3A_16 = tpu.vector_load %arg7[%swap3A_15] {strides = array<i32>} : memref<512xf32, #tpu.memory_space<vmem>>, vector<16xf32>,
    %swap3A_17 = vector.shape_cast %swap3A_16 : vector<16xf32> to vector<16xf32>
    %swap3A_18 = vector.shape_cast %broadcast_in_dim3A_14 : vector<16xf32> to vector<16xf32>
    tpu.vector_store %arg7[%swap3A_15], %swap3A_18 {strides = array<i32>} : memref<512xf32, #tpu.memory_space<vmem>>, vector<16xf32>,
    %broadcast_in_dim3A_19 = arith.constant 1.000000e+00 : f32
    %broadcast_in_dim3A_20 = vector.broadcast %broadcast_in_dim3A_19 : f32 to vector<16xf32>
    %swap3A_21 = arith.constant 48 : index
    %swap3A_22 = tpu.vector_load %arg7[%swap3A_21] {strides = array<i32>} : memref<512xf32, #tpu.memory_space<vmem>>, vector<16xf32>,
    %swap3A_23 = vector.shape_cast %swap3A_22 : vector<16xf32> to vector<16xf32>
    %swap3A_24 = vector.shape_cast %broadcast_in_dim3A_20 : vector<16xf32> to vector<16xf32>
    tpu.vector_store %arg7[%swap3A_21], %swap3A_24 {strides = array<i32>} : memref<512xf32, #tpu.memory_space<vmem>>, vector<16xf32>,
    %broadcast_in_dim3A_25 = arith.constant 1.000000e+00 : f32
    %broadcast_in_dim3A_26 = vector.broadcast %broadcast_in_dim3A_25 : f32 to vector<16xf32>
    %swap3A_27 = arith.constant 64 : index
    %swap3A_28 = tpu.vector_load %arg7[%swap3A_27] {strides = array<i32>} : memref<512xf32, #tpu.memory_space<vmem>>, vector<16xf32>,
    %swap3A_29 = vector.shape_cast %swap3A_28 : vector<16xf32> to vector<16xf32>
    %swap3A_30 = vector.shape_cast %broadcast_in_dim3A_26 : vector<16xf32> to vector<16xf32>
    tpu.vector_store %arg7[%swap3A_27], %swap3A_30 {strides = array<i32>} : memref<512xf32, #tpu.memory_space<vmem>>, vector<16xf32>,
    %broadcast_in_dim3A_31 = arith.constant 1.000000e+00 : f32
    %broadcast_in_dim3A_32 = vector.broadcast %broadcast_in_dim3A_31 : f32 to vector<16xf32>
    %swap3A_33 = arith.constant 80 : index
    %swap3A_34 = tpu.vector_load %arg7[%swap3A_33] {strides = array<i32>} : memref<512xf32, #tpu.memory_space<vmem>>, vector<16xf32>,
    %swap3A_35 = vector.shape_cast %swap3A_34 : vector<16xf32> to vector<16xf32>
    %swap3A_36 = vector.shape_cast %broadcast_in_dim3A_32 : vector<16xf32> to vector<16xf32>
    tpu.vector_store %arg7[%swap3A_33], %swap3A_36 {strides = array<i32>} : memref<512xf32, #tpu.memory_space<vmem>>, vector<16xf32>,
    %broadcast_in_dim3A_37 = arith.constant 1.000000e+00 : f32
    %broadcast_in_dim3A_38 = vector.broadcast %broadcast_in_dim3A_37 : f32 to vector<16xf32>
    %swap3A_39 = arith.constant 96 : index
    %swap3A_40 = tpu.vector_load %arg7[%swap3A_39] {strides = array<i32>} : memref<512xf32, #tpu.memory_space<vmem>>, vector<16xf32>,
    %swap3A_41 = vector.shape_cast %swap3A_40 : vector<16xf32> to vector<16xf32>
    %swap3A_42 = vector.shape_cast %broadcast_in_dim3A_38 : vector<16xf32> to vector<16xf32>
    tpu.vector_store %arg7[%swap3A_39], %swap3A_42 {strides = array<i32>} : memref<512xf32, #tpu.memory_space<vmem>>, vector<16xf32>,
    %broadcast_in_dim3A_43 = arith.constant 1.000000e+00 : f32
    %broadcast_in_dim3A_44 = vector.broadcast %broadcast_in_dim3A_43 : f32 to vector<16xf32>
    %swap3A_45 = arith.constant 112 : index
    %swap3A_46 = tpu.vector_load %arg7[%swap3A_45] {strides = array<i32>} : memref<512xf32, #tpu.memory_space<vmem>>, vector<16xf32>,
    %swap3A_47 = vector.shape_cast %swap3A_46 : vector<16xf32> to vector<16xf32>
    %swap3A_48 = vector.shape_cast %broadcast_in_dim3A_44 : vector<16xf32> to vector<16xf32>
    tpu.vector_store %arg7[%swap3A_45], %swap3A_48 {strides = array<i32>} : memref<512xf32, #tpu.memory_space<vmem>>, vector<16xf32>,
    %broadcast_in_dim3A_49 = arith.constant 1.000000e+00 : f32
    %broadcast_in_dim3A_50 = vector.broadcast %broadcast_in_dim3A_49 : f32 to vector<16xf32>
    %swap3A_51 = arith.constant 128 : index
    %swap3A_52 = tpu.vector_load %arg7[%swap3A_51] {strides = array<i32>} : memref<512xf32, #tpu.memory_space<vmem>>, vector<16xf32>,
    %swap3A_53 = vector.shape_cast %swap3A_52 : vector<16xf32> to vector<16xf32>
    %swap3A_54 = vector.shape_cast %broadcast_in_dim3A_50 : vector<16xf32> to vector<16xf32>
    tpu.vector_store %arg7[%swap3A_51], %swap3A_54 {strides = array<i32>} : memref<512xf32, #tpu.memory_space<vmem>>, vector<16xf32>,
    %broadcast_in_dim3A_55 = arith.constant 1.000000e+00 : f32
    %broadcast_in_dim3A_56 = vector.broadcast %broadcast_in_dim3A_55 : f32 to vector<16xf32>
    %swap3A_57 = arith.constant 144 : index
    %swap3A_58 = tpu.vector_load %arg7[%swap3A_57] {strides = array<i32>} : memref<512xf32, #tpu.memory_space<vmem>>, vector<16xf32>,
    %swap3A_59 = vector.shape_cast %swap3A_58 : vector<16xf32> to vector<16xf32>
    %swap3A_60 = vector.shape_cast %broadcast_in_dim3A_56 : vector<16xf32> to vector<16xf32>
    tpu.vector_store %arg7[%swap3A_57], %swap3A_60 {strides = array<i32>} : memref<512xf32, #tpu.memory_space<vmem>>, vector<16xf32>,
    %broadcast_in_dim3A_61 = arith.constant 1.000000e+00 : f32
    %broadcast_in_dim3A_62 = vector.broadcast %broadcast_in_dim3A_61 : f32 to vector<16xf32>
    %swap3A_63 = arith.constant 160 : index
    %swap3A_64 = tpu.vector_load %arg7[%swap3A_63] {strides = array<i32>} : memref<512xf32, #tpu.memory_space<vmem>>, vector<16xf32>,
    %swap3A_65 = vector.shape_cast %swap3A_64 : vector<16xf32> to vector<16xf32>
    %swap3A_66 = vector.shape_cast %broadcast_in_dim3A_62 : vector<16xf32> to vector<16xf32>
    tpu.vector_store %arg7[%swap3A_63], %swap3A_66 {strides = array<i32>} : memref<512xf32, #tpu.memory_space<vmem>>, vector<16xf32>,
    %broadcast_in_dim3A_67 = arith.constant 1.000000e+00 : f32
    %broadcast_in_dim3A_68 = vector.broadcast %broadcast_in_dim3A_67 : f32 to vector<16xf32>
    %swap3A_69 = arith.constant 176 : index
    %swap3A_70 = tpu.vector_load %arg7[%swap3A_69] {strides = array<i32>} : memref<512xf32, #tpu.memory_space<vmem>>, vector<16xf32>,
    %swap3A_71 = vector.shape_cast %swap3A_70 : vector<16xf32> to vector<16xf32>
    %swap3A_72 = vector.shape_cast %broadcast_in_dim3A_68 : vector<16xf32> to vector<16xf32>
    tpu.vector_store %arg7[%swap3A_69], %swap3A_72 {strides = array<i32>} : memref<512xf32, #tpu.memory_space<vmem>>, vector<16xf32>,
    %broadcast_in_dim3A_73 = arith.constant 1.000000e+00 : f32
    %broadcast_in_dim3A_74 = vector.broadcast %broadcast_in_dim3A_73 : f32 to vector<16xf32>
    %swap3A_75 = arith.constant 192 : index
    %swap3A_76 = tpu.vector_load %arg7[%swap3A_75] {strides = array<i32>} : memref<512xf32, #tpu.memory_space<vmem>>, vector<16xf32>,
    %swap3A_77 = vector.shape_cast %swap3A_76 : vector<16xf32> to vector<16xf32>
    %swap3A_78 = vector.shape_cast %broadcast_in_dim3A_74 : vector<16xf32> to vector<16xf32>
    tpu.vector_store %arg7[%swap3A_75], %swap3A_78 {strides = array<i32>} : memref<512xf32, #tpu.memory_space<vmem>>, vector<16xf32>,
    %broadcast_in_dim3A_79 = arith.constant 1.000000e+00 : f32
    %broadcast_in_dim3A_80 = vector.broadcast %broadcast_in_dim3A_79 : f32 to vector<16xf32>
    %swap3A_81 = arith.constant 208 : index
    %swap3A_82 = tpu.vector_load %arg7[%swap3A_81] {strides = array<i32>} : memref<512xf32, #tpu.memory_space<vmem>>, vector<16xf32>,
    %swap3A_83 = vector.shape_cast %swap3A_82 : vector<16xf32> to vector<16xf32>
    %swap3A_84 = vector.shape_cast %broadcast_in_dim3A_80 : vector<16xf32> to vector<16xf32>
    tpu.vector_store %arg7[%swap3A_81], %swap3A_84 {strides = array<i32>} : memref<512xf32, #tpu.memory_space<vmem>>, vector<16xf32>,
    %broadcast_in_dim3A_85 = arith.constant 1.000000e+00 : f32
    %broadcast_in_dim3A_86 = vector.broadcast %broadcast_in_dim3A_85 : f32 to vector<16xf32>
    %swap3A_87 = arith.constant 224 : index
    %swap3A_88 = tpu.vector_load %arg7[%swap3A_87] {strides = array<i32>} : memref<512xf32, #tpu.memory_space<vmem>>, vector<16xf32>,
    %swap3A_89 = vector.shape_cast %swap3A_88 : vector<16xf32> to vector<16xf32>
    %swap3A_90 = vector.shape_cast %broadcast_in_dim3A_86 : vector<16xf32> to vector<16xf32>
    tpu.vector_store %arg7[%swap3A_87], %swap3A_90 {strides = array<i32>} : memref<512xf32, #tpu.memory_space<vmem>>, vector<16xf32>,
    %broadcast_in_dim3A_91 = arith.constant 1.000000e+00 : f32
    %broadcast_in_dim3A_92 = vector.broadcast %broadcast_in_dim3A_91 : f32 to vector<16xf32>
    %swap3A_93 = arith.constant 240 : index
    %swap3A_94 = tpu.vector_load %arg7[%swap3A_93] {strides = array<i32>} : memref<512xf32, #tpu.memory_space<vmem>>, vector<16xf32>,
    %swap3A_95 = vector.shape_cast %swap3A_94 : vector<16xf32> to vector<16xf32>
    %swap3A_96 = vector.shape_cast %broadcast_in_dim3A_92 : vector<16xf32> to vector<16xf32>
    tpu.vector_store %arg7[%swap3A_93], %swap3A_96 {strides = array<i32>} : memref<512xf32, #tpu.memory_space<vmem>>, vector<16xf32>,
    %broadcast_in_dim3A_97 = arith.constant 1.000000e+00 : f32
    %broadcast_in_dim3A_98 = vector.broadcast %broadcast_in_dim3A_97 : f32 to vector<16xf32>
    %swap3A_99 = arith.constant 256 : index
    %swap3A_100 = tpu.vector_load %arg7[%swap3A_99] {strides = array<i32>} : memref<512xf32, #tpu.memory_space<vmem>>, vector<16xf32>,
    %swap3A_101 = vector.shape_cast %swap3A_100 : vector<16xf32> to vector<16xf32>
    %swap3A_102 = vector.shape_cast %broadcast_in_dim3A_98 : vector<16xf32> to vector<16xf32>
    tpu.vector_store %arg7[%swap3A_99], %swap3A_102 {strides = array<i32>} : memref<512xf32, #tpu.memory_space<vmem>>, vector<16xf32>,
    %broadcast_in_dim3A_103 = arith.constant 1.000000e+00 : f32
    %broadcast_in_dim3A_104 = vector.broadcast %broadcast_in_dim3A_103 : f32 to vector<16xf32>
    %swap3A_105 = arith.constant 272 : index
    %swap3A_106 = tpu.vector_load %arg7[%swap3A_105] {strides = array<i32>} : memref<512xf32, #tpu.memory_space<vmem>>, vector<16xf32>,
    %swap3A_107 = vector.shape_cast %swap3A_106 : vector<16xf32> to vector<16xf32>
    %swap3A_108 = vector.shape_cast %broadcast_in_dim3A_104 : vector<16xf32> to vector<16xf32>
    tpu.vector_store %arg7[%swap3A_105], %swap3A_108 {strides = array<i32>} : memref<512xf32, #tpu.memory_space<vmem>>, vector<16xf32>,
    %broadcast_in_dim3A_109 = arith.constant 1.000000e+00 : f32
    %broadcast_in_dim3A_110 = vector.broadcast %broadcast_in_dim3A_109 : f32 to vector<16xf32>
    %swap3A_111 = arith.constant 288 : index
    %swap3A_112 = tpu.vector_load %arg7[%swap3A_111] {strides = array<i32>} : memref<512xf32, #tpu.memory_space<vmem>>, vector<16xf32>,
    %swap3A_113 = vector.shape_cast %swap3A_112 : vector<16xf32> to vector<16xf32>
    %swap3A_114 = vector.shape_cast %broadcast_in_dim3A_110 : vector<16xf32> to vector<16xf32>
    tpu.vector_store %arg7[%swap3A_111], %swap3A_114 {strides = array<i32>} : memref<512xf32, #tpu.memory_space<vmem>>, vector<16xf32>,
    %broadcast_in_dim3A_115 = arith.constant 1.000000e+00 : f32
    %broadcast_in_dim3A_116 = vector.broadcast %broadcast_in_dim3A_115 : f32 to vector<16xf32>
    %swap3A_117 = arith.constant 304 : index
    %swap3A_118 = tpu.vector_load %arg7[%swap3A_117] {strides = array<i32>} : memref<512xf32, #tpu.memory_space<vmem>>, vector<16xf32>,
    %swap3A_119 = vector.shape_cast %swap3A_118 : vector<16xf32> to vector<16xf32>
    %swap3A_120 = vector.shape_cast %broadcast_in_dim3A_116 : vector<16xf32> to vector<16xf32>
    tpu.vector_store %arg7[%swap3A_117], %swap3A_120 {strides = array<i32>} : memref<512xf32, #tpu.memory_space<vmem>>, vector<16xf32>,
    %broadcast_in_dim3A_121 = arith.constant 1.000000e+00 : f32
    %broadcast_in_dim3A_122 = vector.broadcast %broadcast_in_dim3A_121 : f32 to vector<16xf32>
    %swap3A_123 = arith.constant 320 : index
    %swap3A_124 = tpu.vector_load %arg7[%swap3A_123] {strides = array<i32>} : memref<512xf32, #tpu.memory_space<vmem>>, vector<16xf32>,
    %swap3A_125 = vector.shape_cast %swap3A_124 : vector<16xf32> to vector<16xf32>
    %swap3A_126 = vector.shape_cast %broadcast_in_dim3A_122 : vector<16xf32> to vector<16xf32>
    tpu.vector_store %arg7[%swap3A_123], %swap3A_126 {strides = array<i32>} : memref<512xf32, #tpu.memory_space<vmem>>, vector<16xf32>,
    %broadcast_in_dim3A_127 = arith.constant 1.000000e+00 : f32
    %broadcast_in_dim3A_128 = vector.broadcast %broadcast_in_dim3A_127 : f32 to vector<16xf32>
    %swap3A_129 = arith.constant 336 : index
    %swap3A_130 = tpu.vector_load %arg7[%swap3A_129] {strides = array<i32>} : memref<512xf32, #tpu.memory_space<vmem>>, vector<16xf32>,
    %swap3A_131 = vector.shape_cast %swap3A_130 : vector<16xf32> to vector<16xf32>
    %swap3A_132 = vector.shape_cast %broadcast_in_dim3A_128 : vector<16xf32> to vector<16xf32>
    tpu.vector_store %arg7[%swap3A_129], %swap3A_132 {strides = array<i32>} : memref<512xf32, #tpu.memory_space<vmem>>, vector<16xf32>,
    %broadcast_in_dim3A_133 = arith.constant 1.000000e+00 : f32
    %broadcast_in_dim3A_134 = vector.broadcast %broadcast_in_dim3A_133 : f32 to vector<16xf32>
    %swap3A_135 = arith.constant 352 : index
    %swap3A_136 = tpu.vector_load %arg7[%swap3A_135] {strides = array<i32>} : memref<512xf32, #tpu.memory_space<vmem>>, vector<16xf32>,
    %swap3A_137 = vector.shape_cast %swap3A_136 : vector<16xf32> to vector<16xf32>
    %swap3A_138 = vector.shape_cast %broadcast_in_dim3A_134 : vector<16xf32> to vector<16xf32>
    tpu.vector_store %arg7[%swap3A_135], %swap3A_138 {strides = array<i32>} : memref<512xf32, #tpu.memory_space<vmem>>, vector<16xf32>,
    %broadcast_in_dim3A_139 = arith.constant 1.000000e+00 : f32
    %broadcast_in_dim3A_140 = vector.broadcast %broadcast_in_dim3A_139 : f32 to vector<16xf32>
    %swap3A_141 = arith.constant 368 : index
    %swap3A_142 = tpu.vector_load %arg7[%swap3A_141] {strides = array<i32>} : memref<512xf32, #tpu.memory_space<vmem>>, vector<16xf32>,
    %swap3A_143 = vector.shape_cast %swap3A_142 : vector<16xf32> to vector<16xf32>
    %swap3A_144 = vector.shape_cast %broadcast_in_dim3A_140 : vector<16xf32> to vector<16xf32>
    tpu.vector_store %arg7[%swap3A_141], %swap3A_144 {strides = array<i32>} : memref<512xf32, #tpu.memory_space<vmem>>, vector<16xf32>,
    %broadcast_in_dim3A_145 = arith.constant 1.000000e+00 : f32
    %broadcast_in_dim3A_146 = vector.broadcast %broadcast_in_dim3A_145 : f32 to vector<16xf32>
    %swap3A_147 = arith.constant 384 : index
    %swap3A_148 = tpu.vector_load %arg7[%swap3A_147] {strides = array<i32>} : memref<512xf32, #tpu.memory_space<vmem>>, vector<16xf32>,
    %swap3A_149 = vector.shape_cast %swap3A_148 : vector<16xf32> to vector<16xf32>
    %swap3A_150 = vector.shape_cast %broadcast_in_dim3A_146 : vector<16xf32> to vector<16xf32>
    tpu.vector_store %arg7[%swap3A_147], %swap3A_150 {strides = array<i32>} : memref<512xf32, #tpu.memory_space<vmem>>, vector<16xf32>,
    %broadcast_in_dim3A_151 = arith.constant 1.000000e+00 : f32
    %broadcast_in_dim3A_152 = vector.broadcast %broadcast_in_dim3A_151 : f32 to vector<16xf32>
    %swap3A_153 = arith.constant 400 : index
    %swap3A_154 = tpu.vector_load %arg7[%swap3A_153] {strides = array<i32>} : memref<512xf32, #tpu.memory_space<vmem>>, vector<16xf32>,
    %swap3A_155 = vector.shape_cast %swap3A_154 : vector<16xf32> to vector<16xf32>
    %swap3A_156 = vector.shape_cast %broadcast_in_dim3A_152 : vector<16xf32> to vector<16xf32>
    tpu.vector_store %arg7[%swap3A_153], %swap3A_156 {strides = array<i32>} : memref<512xf32, #tpu.memory_space<vmem>>, vector<16xf32>,
    %broadcast_in_dim3A_157 = arith.constant 1.000000e+00 : f32
    %broadcast_in_dim3A_158 = vector.broadcast %broadcast_in_dim3A_157 : f32 to vector<16xf32>
    %swap3A_159 = arith.constant 416 : index
    %swap3A_160 = tpu.vector_load %arg7[%swap3A_159] {strides = array<i32>} : memref<512xf32, #tpu.memory_space<vmem>>, vector<16xf32>,
    %swap3A_161 = vector.shape_cast %swap3A_160 : vector<16xf32> to vector<16xf32>
    %swap3A_162 = vector.shape_cast %broadcast_in_dim3A_158 : vector<16xf32> to vector<16xf32>
    tpu.vector_store %arg7[%swap3A_159], %swap3A_162 {strides = array<i32>} : memref<512xf32, #tpu.memory_space<vmem>>, vector<16xf32>,
    %broadcast_in_dim3A_163 = arith.constant 1.000000e+00 : f32
    %broadcast_in_dim3A_164 = vector.broadcast %broadcast_in_dim3A_163 : f32 to vector<16xf32>
    %swap3A_165 = arith.constant 432 : index
    %swap3A_166 = tpu.vector_load %arg7[%swap3A_165] {strides = array<i32>} : memref<512xf32, #tpu.memory_space<vmem>>, vector<16xf32>,
    %swap3A_167 = vector.shape_cast %swap3A_166 : vector<16xf32> to vector<16xf32>
    %swap3A_168 = vector.shape_cast %broadcast_in_dim3A_164 : vector<16xf32> to vector<16xf32>
    tpu.vector_store %arg7[%swap3A_165], %swap3A_168 {strides = array<i32>} : memref<512xf32, #tpu.memory_space<vmem>>, vector<16xf32>,
    %broadcast_in_dim3A_169 = arith.constant 1.000000e+00 : f32
    %broadcast_in_dim3A_170 = vector.broadcast %broadcast_in_dim3A_169 : f32 to vector<16xf32>
    %swap3A_171 = arith.constant 448 : index
    %swap3A_172 = tpu.vector_load %arg7[%swap3A_171] {strides = array<i32>} : memref<512xf32, #tpu.memory_space<vmem>>, vector<16xf32>,
    %swap3A_173 = vector.shape_cast %swap3A_172 : vector<16xf32> to vector<16xf32>
    %swap3A_174 = vector.shape_cast %broadcast_in_dim3A_170 : vector<16xf32> to vector<16xf32>
    tpu.vector_store %arg7[%swap3A_171], %swap3A_174 {strides = array<i32>} : memref<512xf32, #tpu.memory_space<vmem>>, vector<16xf32>,
    %broadcast_in_dim3A_175 = arith.constant 1.000000e+00 : f32
    %broadcast_in_dim3A_176 = vector.broadcast %broadcast_in_dim3A_175 : f32 to vector<16xf32>
    %swap3A_177 = arith.constant 464 : index
    %swap3A_178 = tpu.vector_load %arg7[%swap3A_177] {strides = array<i32>} : memref<512xf32, #tpu.memory_space<vmem>>, vector<16xf32>,
    %swap3A_179 = vector.shape_cast %swap3A_178 : vector<16xf32> to vector<16xf32>
    %swap3A_180 = vector.shape_cast %broadcast_in_dim3A_176 : vector<16xf32> to vector<16xf32>
    tpu.vector_store %arg7[%swap3A_177], %swap3A_180 {strides = array<i32>} : memref<512xf32, #tpu.memory_space<vmem>>, vector<16xf32>,
    %broadcast_in_dim3A_181 = arith.constant 1.000000e+00 : f32
    %broadcast_in_dim3A_182 = vector.broadcast %broadcast_in_dim3A_181 : f32 to vector<16xf32>
    %swap3A_183 = arith.constant 480 : index
    %swap3A_184 = tpu.vector_load %arg7[%swap3A_183] {strides = array<i32>} : memref<512xf32, #tpu.memory_space<vmem>>, vector<16xf32>,
    %swap3A_185 = vector.shape_cast %swap3A_184 : vector<16xf32> to vector<16xf32>
    %swap3A_186 = vector.shape_cast %broadcast_in_dim3A_182 : vector<16xf32> to vector<16xf32>
    tpu.vector_store %arg7[%swap3A_183], %swap3A_186 {strides = array<i32>} : memref<512xf32, #tpu.memory_space<vmem>>, vector<16xf32>,
    %broadcast_in_dim3A_187 = arith.constant 1.000000e+00 : f32
    %broadcast_in_dim3A_188 = vector.broadcast %broadcast_in_dim3A_187 : f32 to vector<16xf32>
    %swap3A_189 = arith.constant 496 : index
    %swap3A_190 = tpu.vector_load %arg7[%swap3A_189] {strides = array<i32>} : memref<512xf32, #tpu.memory_space<vmem>>, vector<16xf32>,
    %swap3A_191 = vector.shape_cast %swap3A_190 : vector<16xf32> to vector<16xf32>
    %swap3A_192 = vector.shape_cast %broadcast_in_dim3A_188 : vector<16xf32> to vector<16xf32>
    tpu.vector_store %arg7[%swap3A_189], %swap3A_192 {strides = array<i32>} : memref<512xf32, #tpu.memory_space<vmem>>, vector<16xf32>,
    %barrier3A = arith.constant 0 : index
    tpu.barrier barrier_id(%barrier3A)
    %mul3A_193 = arith.constant 16 : i32
    %mul3A_194 = arith.muli %arg0, %mul3A_193 : i32
    %add3A = arith.addi %mul3A_194, %arg1 : i32
    %mul3A_195 = arith.constant 98 : i32
    %mul3A_196 = arith.muli %add3A, %mul3A_195 : i32
    "tpu.region"() ({
      %run_scoped3A = tpu.sem_alloc : memref<!tpu.dma_semaphore, #tpu.memory_space<semaphore_mem>>
      %dma_start3A = arith.constant 0 : i32
      %dma_start3A_210 = tpu.memref_slice %arg2[%mul3A_196, %dma_start3A] : memref<3136x512xi32, #tpu.memory_space<hbm>> -> memref<1x512xi32, #tpu.memory_space<hbm>>
      %dma_start3A_211 = tpu.memref_squeeze %dma_start3A_210 : memref<1x512xi32, #tpu.memory_space<hbm>> -> memref<512xi32, #tpu.memory_space<hbm>>
      %dma_start3A_212 = arith.constant 0 : i32
      %dma_start3A_213 = tpu.memref_slice %arg2[%mul3A_196, %dma_start3A_212] : memref<3136x512xi32, #tpu.memory_space<hbm>> -> memref<1x512xi32, #tpu.memory_space<hbm>>
      %dma_start3A_214 = tpu.memref_squeeze %dma_start3A_213 : memref<1x512xi32, #tpu.memory_space<hbm>> -> memref<512xi32, #tpu.memory_space<hbm>>
      tpu.enqueue_dma source(%dma_start3A_214 : memref<512xi32, #tpu.memory_space<hbm>>) target(%arg5 : memref<512xi32, #tpu.memory_space<vmem>>) target_semaphore(%run_scoped3A : memref<!tpu.dma_semaphore, #tpu.memory_space<semaphore_mem>>)
      %dma_wait3A = arith.constant 0 : i32
      %dma_wait3A_215 = tpu.memref_slice %arg2[%mul3A_196, %dma_wait3A] : memref<3136x512xi32, #tpu.memory_space<hbm>> -> memref<1x512xi32, #tpu.memory_space<hbm>>
      %dma_wait3A_216 = tpu.memref_squeeze %dma_wait3A_215 : memref<1x512xi32, #tpu.memory_space<hbm>> -> memref<512xi32, #tpu.memory_space<hbm>>
      %dma_wait3A_217 = arith.constant 0 : i32
      %dma_wait3A_218 = tpu.memref_slice %arg2[%mul3A_196, %dma_wait3A_217] : memref<3136x512xi32, #tpu.memory_space<hbm>> -> memref<1x512xi32, #tpu.memory_space<hbm>>
      %dma_wait3A_219 = tpu.memref_squeeze %dma_wait3A_218 : memref<1x512xi32, #tpu.memory_space<hbm>> -> memref<512xi32, #tpu.memory_space<hbm>>
      tpu.wait_dma2 semaphore(%run_scoped3A : memref<!tpu.dma_semaphore, #tpu.memory_space<semaphore_mem>>) src(%dma_wait3A_219 : memref<512xi32, #tpu.memory_space<hbm>>) dst(%arg5 : memref<512xi32, #tpu.memory_space<vmem>>)
      tpu.yield
    }) : () -> ()
    %scan3A = arith.constant 0 : i32
    %scan3A_197 = arith.constant 0 : i32
    %scan3A_198 = arith.constant 49 : i32
    %scan3A_199 = arith.addi %scan3A_197, %scan3A_198 : i32
    %scan3A_200 = arith.constant 1 : i32
    scf.for %scan3A_210 = %scan3A_197 to %scan3A_199 step %scan3A_200  : i32 {
      %mul3A_211 = arith.constant 2 : i32
      %mul3A_212 = arith.muli %mul3A_211, %scan3A_210 : i32
      %dma_start3A = arith.constant 0 : i32
      %dma_start3A_213 = tpu.memref_slice %arg8[%dma_start3A] : memref<100352xf32, #tpu.memory_space<vmem_shared>> -> memref<100352xf32, #tpu.memory_space<vmem_shared>>
      tpu.enqueue_indirect_dma source(%arg7 : memref<512xf32, #tpu.memory_space<vmem>>) target(%dma_start3A_213 : memref<100352xf32, #tpu.memory_space<vmem_shared>>) offsets(%arg5 : memref<512xi32, #tpu.memory_space<vmem>>) semaphore(%arg9 : memref<!tpu.dma_semaphore, #tpu.memory_space<semaphore_mem>>) {add = true}
      %add3A_214 = arith.constant 1 : i32
      %add3A_215 = arith.addi %mul3A_212, %add3A_214 : i32
      %lt3A = arith.constant 98 : i32
      %lt3A_216 = arith.cmpi slt, %add3A_215, %lt3A : i32
      %convert_element_type3A = arith.extui %lt3A_216 : i1 to i32
      %cond3A = arith.constant 0 : i32
      %cond3A_217 = arith.cmpi ne, %convert_element_type3A, %cond3A : i32
      scf.if %cond3A_217 {
        %add3A_234 = arith.addi %mul3A_196, %mul3A_212 : i32
        %add3A_235 = arith.constant 1 : i32
        %add3A_236 = arith.addi %add3A_234, %add3A_235 : i32
        "tpu.region"() ({
          %run_scoped3A = tpu.sem_alloc : memref<!tpu.dma_semaphore, #tpu.memory_space<semaphore_mem>>
          %dma_start3A_237 = arith.constant 0 : i32
          %dma_start3A_238 = tpu.memref_slice %arg2[%add3A_236, %dma_start3A_237] : memref<3136x512xi32, #tpu.memory_space<hbm>> -> memref<1x512xi32, #tpu.memory_space<hbm>>
          %dma_start3A_239 = tpu.memref_squeeze %dma_start3A_238 : memref<1x512xi32, #tpu.memory_space<hbm>> -> memref<512xi32, #tpu.memory_space<hbm>>
          %dma_start3A_240 = arith.constant 0 : i32
          %dma_start3A_241 = tpu.memref_slice %arg2[%add3A_236, %dma_start3A_240] : memref<3136x512xi32, #tpu.memory_space<hbm>> -> memref<1x512xi32, #tpu.memory_space<hbm>>
          %dma_start3A_242 = tpu.memref_squeeze %dma_start3A_241 : memref<1x512xi32, #tpu.memory_space<hbm>> -> memref<512xi32, #tpu.memory_space<hbm>>
          tpu.enqueue_dma source(%dma_start3A_242 : memref<512xi32, #tpu.memory_space<hbm>>) target(%arg6 : memref<512xi32, #tpu.memory_space<vmem>>) target_semaphore(%run_scoped3A : memref<!tpu.dma_semaphore, #tpu.memory_space<semaphore_mem>>)
          %dma_wait3A_243 = arith.constant 0 : i32
          %dma_wait3A_244 = tpu.memref_slice %arg2[%add3A_236, %dma_wait3A_243] : memref<3136x512xi32, #tpu.memory_space<hbm>> -> memref<1x512xi32, #tpu.memory_space<hbm>>
          %dma_wait3A_245 = tpu.memref_squeeze %dma_wait3A_244 : memref<1x512xi32, #tpu.memory_space<hbm>> -> memref<512xi32, #tpu.memory_space<hbm>>
          %dma_wait3A_246 = arith.constant 0 : i32
          %dma_wait3A_247 = tpu.memref_slice %arg2[%add3A_236, %dma_wait3A_246] : memref<3136x512xi32, #tpu.memory_space<hbm>> -> memref<1x512xi32, #tpu.memory_space<hbm>>
          %dma_wait3A_248 = tpu.memref_squeeze %dma_wait3A_247 : memref<1x512xi32, #tpu.memory_space<hbm>> -> memref<512xi32, #tpu.memory_space<hbm>>
          tpu.wait_dma2 semaphore(%run_scoped3A : memref<!tpu.dma_semaphore, #tpu.memory_space<semaphore_mem>>) src(%dma_wait3A_248 : memref<512xi32, #tpu.memory_space<hbm>>) dst(%arg6 : memref<512xi32, #tpu.memory_space<vmem>>)
          tpu.yield
        }) : () -> ()
      } else {
      }
      %dma_wait3A = arith.constant 0 : i32
      %dma_wait3A_218 = tpu.memref_slice %arg8[%dma_wait3A] : memref<100352xf32, #tpu.memory_space<vmem_shared>> -> memref<100352xf32, #tpu.memory_space<vmem_shared>>
      tpu.wait_indirect_dma semaphore(%arg9 : memref<!tpu.dma_semaphore, #tpu.memory_space<semaphore_mem>>) src(%arg7 : memref<512xf32, #tpu.memory_space<vmem>>) dst(%dma_wait3A_218 : memref<100352xf32, #tpu.memory_space<vmem_shared>>)
      %mul3A_219 = arith.constant 2 : i32
      %mul3A_220 = arith.muli %mul3A_219, %scan3A_210 : i32
      %add3A_221 = arith.constant 1 : i32
      %add3A_222 = arith.addi %mul3A_220, %add3A_221 : i32
      %dma_start3A_223 = arith.constant 0 : i32
      %dma_start3A_224 = tpu.memref_slice %arg8[%dma_start3A_223] : memref<100352xf32, #tpu.memory_space<vmem_shared>> -> memref<100352xf32, #tpu.memory_space<vmem_shared>>
      tpu.enqueue_indirect_dma source(%arg7 : memref<512xf32, #tpu.memory_space<vmem>>) target(%dma_start3A_224 : memref<100352xf32, #tpu.memory_space<vmem_shared>>) offsets(%arg6 : memref<512xi32, #tpu.memory_space<vmem>>) semaphore(%arg10 : memref<!tpu.dma_semaphore, #tpu.memory_space<semaphore_mem>>) {add = true}
      %add3A_225 = arith.constant 1 : i32
      %add3A_226 = arith.addi %add3A_222, %add3A_225 : i32
      %lt3A_227 = arith.constant 98 : i32
      %lt3A_228 = arith.cmpi slt, %add3A_226, %lt3A_227 : i32
      %convert_element_type3A_229 = arith.extui %lt3A_228 : i1 to i32
      %cond3A_230 = arith.constant 0 : i32
      %cond3A_231 = arith.cmpi ne, %convert_element_type3A_229, %cond3A_230 : i32
      scf.if %cond3A_231 {
        %add3A_234 = arith.addi %mul3A_196, %add3A_222 : i32
        %add3A_235 = arith.constant 1 : i32
        %add3A_236 = arith.addi %add3A_234, %add3A_235 : i32
        "tpu.region"() ({
          %run_scoped3A = tpu.sem_alloc : memref<!tpu.dma_semaphore, #tpu.memory_space<semaphore_mem>>
          %dma_start3A_237 = arith.constant 0 : i32
          %dma_start3A_238 = tpu.memref_slice %arg2[%add3A_236, %dma_start3A_237] : memref<3136x512xi32, #tpu.memory_space<hbm>> -> memref<1x512xi32, #tpu.memory_space<hbm>>
          %dma_start3A_239 = tpu.memref_squeeze %dma_start3A_238 : memref<1x512xi32, #tpu.memory_space<hbm>> -> memref<512xi32, #tpu.memory_space<hbm>>
          %dma_start3A_240 = arith.constant 0 : i32
          %dma_start3A_241 = tpu.memref_slice %arg2[%add3A_236, %dma_start3A_240] : memref<3136x512xi32, #tpu.memory_space<hbm>> -> memref<1x512xi32, #tpu.memory_space<hbm>>
          %dma_start3A_242 = tpu.memref_squeeze %dma_start3A_241 : memref<1x512xi32, #tpu.memory_space<hbm>> -> memref<512xi32, #tpu.memory_space<hbm>>
          tpu.enqueue_dma source(%dma_start3A_242 : memref<512xi32, #tpu.memory_space<hbm>>) target(%arg5 : memref<512xi32, #tpu.memory_space<vmem>>) target_semaphore(%run_scoped3A : memref<!tpu.dma_semaphore, #tpu.memory_space<semaphore_mem>>)
          %dma_wait3A_243 = arith.constant 0 : i32
          %dma_wait3A_244 = tpu.memref_slice %arg2[%add3A_236, %dma_wait3A_243] : memref<3136x512xi32, #tpu.memory_space<hbm>> -> memref<1x512xi32, #tpu.memory_space<hbm>>
          %dma_wait3A_245 = tpu.memref_squeeze %dma_wait3A_244 : memref<1x512xi32, #tpu.memory_space<hbm>> -> memref<512xi32, #tpu.memory_space<hbm>>
          %dma_wait3A_246 = arith.constant 0 : i32
          %dma_wait3A_247 = tpu.memref_slice %arg2[%add3A_236, %dma_wait3A_246] : memref<3136x512xi32, #tpu.memory_space<hbm>> -> memref<1x512xi32, #tpu.memory_space<hbm>>
          %dma_wait3A_248 = tpu.memref_squeeze %dma_wait3A_247 : memref<1x512xi32, #tpu.memory_space<hbm>> -> memref<512xi32, #tpu.memory_space<hbm>>
          tpu.wait_dma2 semaphore(%run_scoped3A : memref<!tpu.dma_semaphore, #tpu.memory_space<semaphore_mem>>) src(%dma_wait3A_248 : memref<512xi32, #tpu.memory_space<hbm>>) dst(%arg5 : memref<512xi32, #tpu.memory_space<vmem>>)
          tpu.yield
        }) : () -> ()
      } else {
      }
      %dma_wait3A_232 = arith.constant 0 : i32
      %dma_wait3A_233 = tpu.memref_slice %arg8[%dma_wait3A_232] : memref<100352xf32, #tpu.memory_space<vmem_shared>> -> memref<100352xf32, #tpu.memory_space<vmem_shared>>
      tpu.wait_indirect_dma semaphore(%arg10 : memref<!tpu.dma_semaphore, #tpu.memory_space<semaphore_mem>>) src(%arg7 : memref<512xf32, #tpu.memory_space<vmem>>) dst(%dma_wait3A_233 : memref<100352xf32, #tpu.memory_space<vmem_shared>>)
    }
    %scan3A_201 = arith.constant 49 : i32
    %barrier3A_202 = arith.constant 0 : index
    tpu.barrier barrier_id(%barrier3A_202)
    %mul3A_203 = arith.constant 6272 : i32
    %mul3A_204 = arith.muli %arg1, %mul3A_203 : i32
    %mul3A_205 = arith.constant 100352 : i32
    %mul3A_206 = arith.muli %arg0, %mul3A_205 : i32
    %mul3A_207 = arith.constant 6272 : i32
    %mul3A_208 = arith.muli %arg1, %mul3A_207 : i32
    %add3A_209 = arith.addi %mul3A_206, %mul3A_208 : i32
    "tpu.region"() ({
      %run_scoped3A = tpu.sem_alloc : memref<!tpu.dma_semaphore, #tpu.memory_space<semaphore_mem>>
      %dma_start3A = tpu.memref_slice %arg4[%add3A_209] : memref<200704xf32, #tpu.memory_space<hbm>> -> memref<6272xf32, #tpu.memory_space<hbm>>
      %dma_start3A_210 = tpu.memref_slice %arg8[%mul3A_204] : memref<100352xf32, #tpu.memory_space<vmem_shared>> -> memref<6272xf32, #tpu.memory_space<vmem_shared>>
      tpu.enqueue_dma source(%dma_start3A_210 : memref<6272xf32, #tpu.memory_space<vmem_shared>>) target(%dma_start3A : memref<6272xf32, #tpu.memory_space<hbm>>) target_semaphore(%run_scoped3A : memref<!tpu.dma_semaphore, #tpu.memory_space<semaphore_mem>>)
      %dma_wait3A = tpu.memref_slice %arg4[%add3A_209] : memref<200704xf32, #tpu.memory_space<hbm>> -> memref<6272xf32, #tpu.memory_space<hbm>>
      %dma_wait3A_211 = tpu.memref_slice %arg8[%mul3A_204] : memref<100352xf32, #tpu.memory_space<vmem_shared>> -> memref<6272xf32, #tpu.memory_space<vmem_shared>>
      tpu.wait_dma2 semaphore(%run_scoped3A : memref<!tpu.dma_semaphore, #tpu.memory_space<semaphore_mem>>) src(%dma_wait3A_211 : memref<6272xf32, #tpu.memory_space<vmem_shared>>) dst(%dma_wait3A : memref<6272xf32, #tpu.memory_space<hbm>>)
      tpu.yield
    }) : () -> ()
    return
  }
}

#map = affine_map<(d0, d1) -> (0, 0)>
#map1 = affine_map<(d0, d1) -> (0)>
module attributes {stable_mosaic.version = 14 : i64} {
  func.func @msg_kernel(%arg0: i32, %arg1: i32, %arg2: memref<3136x512xi32, #tpu.memory_space<hbm>>, %arg3: memref<3136x512xi32, #tpu.memory_space<hbm>>, %arg4: memref<100352xf32, #tpu.memory_space<hbm>>, %arg5: memref<100352xf32, #tpu.memory_space<hbm>>, %arg6: memref<100352xf32, #tpu.memory_space<hbm>>, %arg7: memref<401408xf32, #tpu.memory_space<hbm>>, %arg8: memref<512xi32, #tpu.memory_space<vmem>>, %arg9: memref<512xi32, #tpu.memory_space<vmem>>, %arg10: memref<512xi32, #tpu.memory_space<vmem>>, %arg11: memref<512xi32, #tpu.memory_space<vmem>>, %arg12: memref<512xf32, #tpu.memory_space<vmem>>, %arg13: memref<512xf32, #tpu.memory_space<vmem>>, %arg14: memref<512xf32, #tpu.memory_space<vmem>>, %arg15: memref<512xf32, #tpu.memory_space<vmem>>, %arg16: memref<100352xf32, #tpu.memory_space<vmem_shared>>, %arg17: memref<100352xf32, #tpu.memory_space<vmem_shared>>, %arg18: memref<!tpu.dma_semaphore, #tpu.memory_space<semaphore_mem>>, %arg19: memref<!tpu.dma_semaphore, #tpu.memory_space<semaphore_mem>>, %arg20: memref<!tpu.dma_semaphore, #tpu.memory_space<semaphore_mem>>, %arg21: memref<!tpu.dma_semaphore, #tpu.memory_space<semaphore_mem>>) attributes {dimension_semantics = [#tpu.dimension_semantics<core_parallel>, #tpu.dimension_semantics<subcore_parallel>], iteration_bounds = array<i64: 2, 16>, scalar_prefetch = 0 : i64, scratch_operands = 14 : i64, tpu.core_type = #tpu.core_type<sc_vector_subcore>, window_params = [{transform_indices = #map}, {transform_indices = #map}, {transform_indices = #map1}, {transform_indices = #map1}, {transform_indices = #map1}, {transform_indices = #map1}]} {
    %mul3A = arith.constant 6272 : i32
    %mul3A_0 = arith.muli %arg1, %mul3A : i32
    %mul3A_1 = arith.constant 6272 : i32
    %mul3A_2 = arith.muli %arg1, %mul3A_1 : i32
    "tpu.region"() ({
      %run_scoped3A = tpu.sem_alloc : memref<!tpu.dma_semaphore, #tpu.memory_space<semaphore_mem>>
      %dma_start3A_36 = tpu.memref_slice %arg16[%mul3A_2] : memref<100352xf32, #tpu.memory_space<vmem_shared>> -> memref<6272xf32, #tpu.memory_space<vmem_shared>>
      %dma_start3A_37 = tpu.memref_slice %arg6[%mul3A_0] : memref<100352xf32, #tpu.memory_space<hbm>> -> memref<6272xf32, #tpu.memory_space<hbm>>
      tpu.enqueue_dma source(%dma_start3A_37 : memref<6272xf32, #tpu.memory_space<hbm>>) target(%dma_start3A_36 : memref<6272xf32, #tpu.memory_space<vmem_shared>>) target_semaphore(%run_scoped3A : memref<!tpu.dma_semaphore, #tpu.memory_space<semaphore_mem>>)
      %dma_wait3A = tpu.memref_slice %arg16[%mul3A_2] : memref<100352xf32, #tpu.memory_space<vmem_shared>> -> memref<6272xf32, #tpu.memory_space<vmem_shared>>
      %dma_wait3A_38 = tpu.memref_slice %arg6[%mul3A_0] : memref<100352xf32, #tpu.memory_space<hbm>> -> memref<6272xf32, #tpu.memory_space<hbm>>
      tpu.wait_dma2 semaphore(%run_scoped3A : memref<!tpu.dma_semaphore, #tpu.memory_space<semaphore_mem>>) src(%dma_wait3A_38 : memref<6272xf32, #tpu.memory_space<hbm>>) dst(%dma_wait3A : memref<6272xf32, #tpu.memory_space<vmem_shared>>)
      tpu.yield
    }) : () -> ()
    %mul3A_3 = arith.constant 6272 : i32
    %mul3A_4 = arith.muli %arg1, %mul3A_3 : i32
    %mul3A_5 = arith.constant 6272 : i32
    %mul3A_6 = arith.muli %arg1, %mul3A_5 : i32
    "tpu.region"() ({
      %run_scoped3A = tpu.sem_alloc : memref<!tpu.dma_semaphore, #tpu.memory_space<semaphore_mem>>
      %dma_start3A_36 = tpu.memref_slice %arg17[%mul3A_6] : memref<100352xf32, #tpu.memory_space<vmem_shared>> -> memref<6272xf32, #tpu.memory_space<vmem_shared>>
      %dma_start3A_37 = tpu.memref_slice %arg6[%mul3A_4] : memref<100352xf32, #tpu.memory_space<hbm>> -> memref<6272xf32, #tpu.memory_space<hbm>>
      tpu.enqueue_dma source(%dma_start3A_37 : memref<6272xf32, #tpu.memory_space<hbm>>) target(%dma_start3A_36 : memref<6272xf32, #tpu.memory_space<vmem_shared>>) target_semaphore(%run_scoped3A : memref<!tpu.dma_semaphore, #tpu.memory_space<semaphore_mem>>)
      %dma_wait3A = tpu.memref_slice %arg17[%mul3A_6] : memref<100352xf32, #tpu.memory_space<vmem_shared>> -> memref<6272xf32, #tpu.memory_space<vmem_shared>>
      %dma_wait3A_38 = tpu.memref_slice %arg6[%mul3A_4] : memref<100352xf32, #tpu.memory_space<hbm>> -> memref<6272xf32, #tpu.memory_space<hbm>>
      tpu.wait_dma2 semaphore(%run_scoped3A : memref<!tpu.dma_semaphore, #tpu.memory_space<semaphore_mem>>) src(%dma_wait3A_38 : memref<6272xf32, #tpu.memory_space<hbm>>) dst(%dma_wait3A : memref<6272xf32, #tpu.memory_space<vmem_shared>>)
      tpu.yield
    }) : () -> ()
    %barrier3A = arith.constant 0 : index
    tpu.barrier barrier_id(%barrier3A)
    %mul3A_7 = arith.constant 16 : i32
    %mul3A_8 = arith.muli %arg0, %mul3A_7 : i32
    %add3A = arith.addi %mul3A_8, %arg1 : i32
    %mul3A_9 = arith.constant 98 : i32
    %mul3A_10 = arith.muli %add3A, %mul3A_9 : i32
    "tpu.region"() ({
      %run_scoped3A = tpu.sem_alloc : memref<!tpu.dma_semaphore, #tpu.memory_space<semaphore_mem>>
      %dma_start3A_36 = arith.constant 0 : i32
      %dma_start3A_37 = tpu.memref_slice %arg2[%mul3A_10, %dma_start3A_36] : memref<3136x512xi32, #tpu.memory_space<hbm>> -> memref<1x512xi32, #tpu.memory_space<hbm>>
      %dma_start3A_38 = tpu.memref_squeeze %dma_start3A_37 : memref<1x512xi32, #tpu.memory_space<hbm>> -> memref<512xi32, #tpu.memory_space<hbm>>
      %dma_start3A_39 = arith.constant 0 : i32
      %dma_start3A_40 = tpu.memref_slice %arg2[%mul3A_10, %dma_start3A_39] : memref<3136x512xi32, #tpu.memory_space<hbm>> -> memref<1x512xi32, #tpu.memory_space<hbm>>
      %dma_start3A_41 = tpu.memref_squeeze %dma_start3A_40 : memref<1x512xi32, #tpu.memory_space<hbm>> -> memref<512xi32, #tpu.memory_space<hbm>>
      tpu.enqueue_dma source(%dma_start3A_41 : memref<512xi32, #tpu.memory_space<hbm>>) target(%arg8 : memref<512xi32, #tpu.memory_space<vmem>>) target_semaphore(%run_scoped3A : memref<!tpu.dma_semaphore, #tpu.memory_space<semaphore_mem>>)
      %dma_wait3A = arith.constant 0 : i32
      %dma_wait3A_42 = tpu.memref_slice %arg2[%mul3A_10, %dma_wait3A] : memref<3136x512xi32, #tpu.memory_space<hbm>> -> memref<1x512xi32, #tpu.memory_space<hbm>>
      %dma_wait3A_43 = tpu.memref_squeeze %dma_wait3A_42 : memref<1x512xi32, #tpu.memory_space<hbm>> -> memref<512xi32, #tpu.memory_space<hbm>>
      %dma_wait3A_44 = arith.constant 0 : i32
      %dma_wait3A_45 = tpu.memref_slice %arg2[%mul3A_10, %dma_wait3A_44] : memref<3136x512xi32, #tpu.memory_space<hbm>> -> memref<1x512xi32, #tpu.memory_space<hbm>>
      %dma_wait3A_46 = tpu.memref_squeeze %dma_wait3A_45 : memref<1x512xi32, #tpu.memory_space<hbm>> -> memref<512xi32, #tpu.memory_space<hbm>>
      tpu.wait_dma2 semaphore(%run_scoped3A : memref<!tpu.dma_semaphore, #tpu.memory_space<semaphore_mem>>) src(%dma_wait3A_46 : memref<512xi32, #tpu.memory_space<hbm>>) dst(%arg8 : memref<512xi32, #tpu.memory_space<vmem>>)
      tpu.yield
    }) : () -> ()
    "tpu.region"() ({
      %run_scoped3A = tpu.sem_alloc : memref<!tpu.dma_semaphore, #tpu.memory_space<semaphore_mem>>
      %dma_start3A_36 = arith.constant 0 : i32
      %dma_start3A_37 = tpu.memref_slice %arg3[%mul3A_10, %dma_start3A_36] : memref<3136x512xi32, #tpu.memory_space<hbm>> -> memref<1x512xi32, #tpu.memory_space<hbm>>
      %dma_start3A_38 = tpu.memref_squeeze %dma_start3A_37 : memref<1x512xi32, #tpu.memory_space<hbm>> -> memref<512xi32, #tpu.memory_space<hbm>>
      %dma_start3A_39 = arith.constant 0 : i32
      %dma_start3A_40 = tpu.memref_slice %arg3[%mul3A_10, %dma_start3A_39] : memref<3136x512xi32, #tpu.memory_space<hbm>> -> memref<1x512xi32, #tpu.memory_space<hbm>>
      %dma_start3A_41 = tpu.memref_squeeze %dma_start3A_40 : memref<1x512xi32, #tpu.memory_space<hbm>> -> memref<512xi32, #tpu.memory_space<hbm>>
      tpu.enqueue_dma source(%dma_start3A_41 : memref<512xi32, #tpu.memory_space<hbm>>) target(%arg9 : memref<512xi32, #tpu.memory_space<vmem>>) target_semaphore(%run_scoped3A : memref<!tpu.dma_semaphore, #tpu.memory_space<semaphore_mem>>)
      %dma_wait3A = arith.constant 0 : i32
      %dma_wait3A_42 = tpu.memref_slice %arg3[%mul3A_10, %dma_wait3A] : memref<3136x512xi32, #tpu.memory_space<hbm>> -> memref<1x512xi32, #tpu.memory_space<hbm>>
      %dma_wait3A_43 = tpu.memref_squeeze %dma_wait3A_42 : memref<1x512xi32, #tpu.memory_space<hbm>> -> memref<512xi32, #tpu.memory_space<hbm>>
      %dma_wait3A_44 = arith.constant 0 : i32
      %dma_wait3A_45 = tpu.memref_slice %arg3[%mul3A_10, %dma_wait3A_44] : memref<3136x512xi32, #tpu.memory_space<hbm>> -> memref<1x512xi32, #tpu.memory_space<hbm>>
      %dma_wait3A_46 = tpu.memref_squeeze %dma_wait3A_45 : memref<1x512xi32, #tpu.memory_space<hbm>> -> memref<512xi32, #tpu.memory_space<hbm>>
      tpu.wait_dma2 semaphore(%run_scoped3A : memref<!tpu.dma_semaphore, #tpu.memory_space<semaphore_mem>>) src(%dma_wait3A_46 : memref<512xi32, #tpu.memory_space<hbm>>) dst(%arg9 : memref<512xi32, #tpu.memory_space<vmem>>)
      tpu.yield
    }) : () -> ()
    %dma_start3A = arith.constant 0 : i32
    %dma_start3A_11 = tpu.memref_slice %arg4[%dma_start3A] : memref<100352xf32, #tpu.memory_space<hbm>> -> memref<100352xf32, #tpu.memory_space<hbm>>
    tpu.enqueue_indirect_dma source(%dma_start3A_11 : memref<100352xf32, #tpu.memory_space<hbm>>) target(%arg12 : memref<512xf32, #tpu.memory_space<vmem>>) offsets(%arg8 : memref<512xi32, #tpu.memory_space<vmem>>) semaphore(%arg18 : memref<!tpu.dma_semaphore, #tpu.memory_space<semaphore_mem>>)
    %dma_start3A_12 = arith.constant 0 : i32
    %dma_start3A_13 = tpu.memref_slice %arg5[%dma_start3A_12] : memref<100352xf32, #tpu.memory_space<hbm>> -> memref<100352xf32, #tpu.memory_space<hbm>>
    tpu.enqueue_indirect_dma source(%dma_start3A_13 : memref<100352xf32, #tpu.memory_space<hbm>>) target(%arg13 : memref<512xf32, #tpu.memory_space<vmem>>) offsets(%arg8 : memref<512xi32, #tpu.memory_space<vmem>>) semaphore(%arg18 : memref<!tpu.dma_semaphore, #tpu.memory_space<semaphore_mem>>)
    %scan3A = arith.constant 0 : i32
    %scan3A_14 = arith.constant 0 : i32
    %scan3A_15 = arith.constant 49 : i32
    %scan3A_16 = arith.addi %scan3A_14, %scan3A_15 : i32
    %scan3A_17 = arith.constant 1 : i32
    scf.for %scan3A_36 = %scan3A_14 to %scan3A_16 step %scan3A_17  : i32 {
      %mul3A_37 = arith.constant 2 : i32
      %mul3A_38 = arith.muli %mul3A_37, %scan3A_36 : i32
      %add3A_39 = arith.constant 1 : i32
      %add3A_40 = arith.addi %mul3A_38, %add3A_39 : i32
      %lt3A = arith.constant 98 : i32
      %lt3A_41 = arith.cmpi slt, %add3A_40, %lt3A : i32
      %convert_element_type3A = arith.extui %lt3A_41 : i1 to i32
      %cond3A = arith.constant 0 : i32
      %cond3A_42 = arith.cmpi ne, %convert_element_type3A, %cond3A : i32
      scf.if %cond3A_42 {
        %add3A_77 = arith.addi %mul3A_10, %mul3A_38 : i32
        %add3A_78 = arith.constant 1 : i32
        %add3A_79 = arith.addi %add3A_77, %add3A_78 : i32
        "tpu.region"() ({
          %run_scoped3A = tpu.sem_alloc : memref<!tpu.dma_semaphore, #tpu.memory_space<semaphore_mem>>
          %dma_start3A_87 = arith.constant 0 : i32
          %dma_start3A_88 = tpu.memref_slice %arg2[%add3A_79, %dma_start3A_87] : memref<3136x512xi32, #tpu.memory_space<hbm>> -> memref<1x512xi32, #tpu.memory_space<hbm>>
          %dma_start3A_89 = tpu.memref_squeeze %dma_start3A_88 : memref<1x512xi32, #tpu.memory_space<hbm>> -> memref<512xi32, #tpu.memory_space<hbm>>
          %dma_start3A_90 = arith.constant 0 : i32
          %dma_start3A_91 = tpu.memref_slice %arg2[%add3A_79, %dma_start3A_90] : memref<3136x512xi32, #tpu.memory_space<hbm>> -> memref<1x512xi32, #tpu.memory_space<hbm>>
          %dma_start3A_92 = tpu.memref_squeeze %dma_start3A_91 : memref<1x512xi32, #tpu.memory_space<hbm>> -> memref<512xi32, #tpu.memory_space<hbm>>
          tpu.enqueue_dma source(%dma_start3A_92 : memref<512xi32, #tpu.memory_space<hbm>>) target(%arg10 : memref<512xi32, #tpu.memory_space<vmem>>) target_semaphore(%run_scoped3A : memref<!tpu.dma_semaphore, #tpu.memory_space<semaphore_mem>>)
          %dma_wait3A_93 = arith.constant 0 : i32
          %dma_wait3A_94 = tpu.memref_slice %arg2[%add3A_79, %dma_wait3A_93] : memref<3136x512xi32, #tpu.memory_space<hbm>> -> memref<1x512xi32, #tpu.memory_space<hbm>>
          %dma_wait3A_95 = tpu.memref_squeeze %dma_wait3A_94 : memref<1x512xi32, #tpu.memory_space<hbm>> -> memref<512xi32, #tpu.memory_space<hbm>>
          %dma_wait3A_96 = arith.constant 0 : i32
          %dma_wait3A_97 = tpu.memref_slice %arg2[%add3A_79, %dma_wait3A_96] : memref<3136x512xi32, #tpu.memory_space<hbm>> -> memref<1x512xi32, #tpu.memory_space<hbm>>
          %dma_wait3A_98 = tpu.memref_squeeze %dma_wait3A_97 : memref<1x512xi32, #tpu.memory_space<hbm>> -> memref<512xi32, #tpu.memory_space<hbm>>
          tpu.wait_dma2 semaphore(%run_scoped3A : memref<!tpu.dma_semaphore, #tpu.memory_space<semaphore_mem>>) src(%dma_wait3A_98 : memref<512xi32, #tpu.memory_space<hbm>>) dst(%arg10 : memref<512xi32, #tpu.memory_space<vmem>>)
          tpu.yield
        }) : () -> ()
        %add3A_80 = arith.addi %mul3A_10, %mul3A_38 : i32
        %add3A_81 = arith.constant 1 : i32
        %add3A_82 = arith.addi %add3A_80, %add3A_81 : i32
        "tpu.region"() ({
          %run_scoped3A = tpu.sem_alloc : memref<!tpu.dma_semaphore, #tpu.memory_space<semaphore_mem>>
          %dma_start3A_87 = arith.constant 0 : i32
          %dma_start3A_88 = tpu.memref_slice %arg3[%add3A_82, %dma_start3A_87] : memref<3136x512xi32, #tpu.memory_space<hbm>> -> memref<1x512xi32, #tpu.memory_space<hbm>>
          %dma_start3A_89 = tpu.memref_squeeze %dma_start3A_88 : memref<1x512xi32, #tpu.memory_space<hbm>> -> memref<512xi32, #tpu.memory_space<hbm>>
          %dma_start3A_90 = arith.constant 0 : i32
          %dma_start3A_91 = tpu.memref_slice %arg3[%add3A_82, %dma_start3A_90] : memref<3136x512xi32, #tpu.memory_space<hbm>> -> memref<1x512xi32, #tpu.memory_space<hbm>>
          %dma_start3A_92 = tpu.memref_squeeze %dma_start3A_91 : memref<1x512xi32, #tpu.memory_space<hbm>> -> memref<512xi32, #tpu.memory_space<hbm>>
          tpu.enqueue_dma source(%dma_start3A_92 : memref<512xi32, #tpu.memory_space<hbm>>) target(%arg11 : memref<512xi32, #tpu.memory_space<vmem>>) target_semaphore(%run_scoped3A : memref<!tpu.dma_semaphore, #tpu.memory_space<semaphore_mem>>)
          %dma_wait3A_93 = arith.constant 0 : i32
          %dma_wait3A_94 = tpu.memref_slice %arg3[%add3A_82, %dma_wait3A_93] : memref<3136x512xi32, #tpu.memory_space<hbm>> -> memref<1x512xi32, #tpu.memory_space<hbm>>
          %dma_wait3A_95 = tpu.memref_squeeze %dma_wait3A_94 : memref<1x512xi32, #tpu.memory_space<hbm>> -> memref<512xi32, #tpu.memory_space<hbm>>
          %dma_wait3A_96 = arith.constant 0 : i32
          %dma_wait3A_97 = tpu.memref_slice %arg3[%add3A_82, %dma_wait3A_96] : memref<3136x512xi32, #tpu.memory_space<hbm>> -> memref<1x512xi32, #tpu.memory_space<hbm>>
          %dma_wait3A_98 = tpu.memref_squeeze %dma_wait3A_97 : memref<1x512xi32, #tpu.memory_space<hbm>> -> memref<512xi32, #tpu.memory_space<hbm>>
          tpu.wait_dma2 semaphore(%run_scoped3A : memref<!tpu.dma_semaphore, #tpu.memory_space<semaphore_mem>>) src(%dma_wait3A_98 : memref<512xi32, #tpu.memory_space<hbm>>) dst(%arg11 : memref<512xi32, #tpu.memory_space<vmem>>)
          tpu.yield
        }) : () -> ()
        %dma_start3A_83 = arith.constant 0 : i32
        %dma_start3A_84 = tpu.memref_slice %arg4[%dma_start3A_83] : memref<100352xf32, #tpu.memory_space<hbm>> -> memref<100352xf32, #tpu.memory_space<hbm>>
        tpu.enqueue_indirect_dma source(%dma_start3A_84 : memref<100352xf32, #tpu.memory_space<hbm>>) target(%arg14 : memref<512xf32, #tpu.memory_space<vmem>>) offsets(%arg10 : memref<512xi32, #tpu.memory_space<vmem>>) semaphore(%arg19 : memref<!tpu.dma_semaphore, #tpu.memory_space<semaphore_mem>>)
        %dma_start3A_85 = arith.constant 0 : i32
        %dma_start3A_86 = tpu.memref_slice %arg5[%dma_start3A_85] : memref<100352xf32, #tpu.memory_space<hbm>> -> memref<100352xf32, #tpu.memory_space<hbm>>
        tpu.enqueue_indirect_dma source(%dma_start3A_86 : memref<100352xf32, #tpu.memory_space<hbm>>) target(%arg15 : memref<512xf32, #tpu.memory_space<vmem>>) offsets(%arg10 : memref<512xi32, #tpu.memory_space<vmem>>) semaphore(%arg19 : memref<!tpu.dma_semaphore, #tpu.memory_space<semaphore_mem>>)
      } else {
      }
      %dma_wait3A = arith.constant 0 : i32
      %dma_wait3A_43 = tpu.memref_slice %arg4[%dma_wait3A] : memref<100352xf32, #tpu.memory_space<hbm>> -> memref<100352xf32, #tpu.memory_space<hbm>>
      tpu.wait_indirect_dma semaphore(%arg18 : memref<!tpu.dma_semaphore, #tpu.memory_space<semaphore_mem>>) src(%dma_wait3A_43 : memref<100352xf32, #tpu.memory_space<hbm>>) dst(%arg12 : memref<512xf32, #tpu.memory_space<vmem>>)
      %dma_wait3A_44 = arith.constant 0 : i32
      %dma_wait3A_45 = tpu.memref_slice %arg5[%dma_wait3A_44] : memref<100352xf32, #tpu.memory_space<hbm>> -> memref<100352xf32, #tpu.memory_space<hbm>>
      tpu.wait_indirect_dma semaphore(%arg18 : memref<!tpu.dma_semaphore, #tpu.memory_space<semaphore_mem>>) src(%dma_wait3A_45 : memref<100352xf32, #tpu.memory_space<hbm>>) dst(%arg13 : memref<512xf32, #tpu.memory_space<vmem>>)
      %dma_start3A_46 = arith.constant 0 : i32
      %dma_start3A_47 = tpu.memref_slice %arg16[%dma_start3A_46] : memref<100352xf32, #tpu.memory_space<vmem_shared>> -> memref<100352xf32, #tpu.memory_space<vmem_shared>>
      tpu.enqueue_indirect_dma source(%arg12 : memref<512xf32, #tpu.memory_space<vmem>>) target(%dma_start3A_47 : memref<100352xf32, #tpu.memory_space<vmem_shared>>) offsets(%arg9 : memref<512xi32, #tpu.memory_space<vmem>>) semaphore(%arg20 : memref<!tpu.dma_semaphore, #tpu.memory_space<semaphore_mem>>) {add = true}
      %dma_start3A_48 = arith.constant 0 : i32
      %dma_start3A_49 = tpu.memref_slice %arg17[%dma_start3A_48] : memref<100352xf32, #tpu.memory_space<vmem_shared>> -> memref<100352xf32, #tpu.memory_space<vmem_shared>>
      tpu.enqueue_indirect_dma source(%arg13 : memref<512xf32, #tpu.memory_space<vmem>>) target(%dma_start3A_49 : memref<100352xf32, #tpu.memory_space<vmem_shared>>) offsets(%arg9 : memref<512xi32, #tpu.memory_space<vmem>>) semaphore(%arg20 : memref<!tpu.dma_semaphore, #tpu.memory_space<semaphore_mem>>) {add = true}
      %dma_wait3A_50 = arith.constant 0 : i32
      %dma_wait3A_51 = tpu.memref_slice %arg16[%dma_wait3A_50] : memref<100352xf32, #tpu.memory_space<vmem_shared>> -> memref<100352xf32, #tpu.memory_space<vmem_shared>>
      tpu.wait_indirect_dma semaphore(%arg20 : memref<!tpu.dma_semaphore, #tpu.memory_space<semaphore_mem>>) src(%arg12 : memref<512xf32, #tpu.memory_space<vmem>>) dst(%dma_wait3A_51 : memref<100352xf32, #tpu.memory_space<vmem_shared>>)
      %dma_wait3A_52 = arith.constant 0 : i32
      %dma_wait3A_53 = tpu.memref_slice %arg17[%dma_wait3A_52] : memref<100352xf32, #tpu.memory_space<vmem_shared>> -> memref<100352xf32, #tpu.memory_space<vmem_shared>>
      tpu.wait_indirect_dma semaphore(%arg20 : memref<!tpu.dma_semaphore, #tpu.memory_space<semaphore_mem>>) src(%arg13 : memref<512xf32, #tpu.memory_space<vmem>>) dst(%dma_wait3A_53 : memref<100352xf32, #tpu.memory_space<vmem_shared>>)
      %mul3A_54 = arith.constant 2 : i32
      %mul3A_55 = arith.muli %mul3A_54, %scan3A_36 : i32
      %add3A_56 = arith.constant 1 : i32
      %add3A_57 = arith.addi %mul3A_55, %add3A_56 : i32
      %add3A_58 = arith.constant 1 : i32
      %add3A_59 = arith.addi %add3A_57, %add3A_58 : i32
      %lt3A_60 = arith.constant 98 : i32
      %lt3A_61 = arith.cmpi slt, %add3A_59, %lt3A_60 : i32
      %convert_element_type3A_62 = arith.extui %lt3A_61 : i1 to i32
      %cond3A_63 = arith.constant 0 : i32
      %cond3A_64 = arith.cmpi ne, %convert_element_type3A_62, %cond3A_63 : i32
      scf.if %cond3A_64 {
        %add3A_77 = arith.addi %mul3A_10, %add3A_57 : i32
        %add3A_78 = arith.constant 1 : i32
        %add3A_79 = arith.addi %add3A_77, %add3A_78 : i32
        "tpu.region"() ({
          %run_scoped3A = tpu.sem_alloc : memref<!tpu.dma_semaphore, #tpu.memory_space<semaphore_mem>>
          %dma_start3A_87 = arith.constant 0 : i32
          %dma_start3A_88 = tpu.memref_slice %arg2[%add3A_79, %dma_start3A_87] : memref<3136x512xi32, #tpu.memory_space<hbm>> -> memref<1x512xi32, #tpu.memory_space<hbm>>
          %dma_start3A_89 = tpu.memref_squeeze %dma_start3A_88 : memref<1x512xi32, #tpu.memory_space<hbm>> -> memref<512xi32, #tpu.memory_space<hbm>>
          %dma_start3A_90 = arith.constant 0 : i32
          %dma_start3A_91 = tpu.memref_slice %arg2[%add3A_79, %dma_start3A_90] : memref<3136x512xi32, #tpu.memory_space<hbm>> -> memref<1x512xi32, #tpu.memory_space<hbm>>
          %dma_start3A_92 = tpu.memref_squeeze %dma_start3A_91 : memref<1x512xi32, #tpu.memory_space<hbm>> -> memref<512xi32, #tpu.memory_space<hbm>>
          tpu.enqueue_dma source(%dma_start3A_92 : memref<512xi32, #tpu.memory_space<hbm>>) target(%arg8 : memref<512xi32, #tpu.memory_space<vmem>>) target_semaphore(%run_scoped3A : memref<!tpu.dma_semaphore, #tpu.memory_space<semaphore_mem>>)
          %dma_wait3A_93 = arith.constant 0 : i32
          %dma_wait3A_94 = tpu.memref_slice %arg2[%add3A_79, %dma_wait3A_93] : memref<3136x512xi32, #tpu.memory_space<hbm>> -> memref<1x512xi32, #tpu.memory_space<hbm>>
          %dma_wait3A_95 = tpu.memref_squeeze %dma_wait3A_94 : memref<1x512xi32, #tpu.memory_space<hbm>> -> memref<512xi32, #tpu.memory_space<hbm>>
          %dma_wait3A_96 = arith.constant 0 : i32
          %dma_wait3A_97 = tpu.memref_slice %arg2[%add3A_79, %dma_wait3A_96] : memref<3136x512xi32, #tpu.memory_space<hbm>> -> memref<1x512xi32, #tpu.memory_space<hbm>>
          %dma_wait3A_98 = tpu.memref_squeeze %dma_wait3A_97 : memref<1x512xi32, #tpu.memory_space<hbm>> -> memref<512xi32, #tpu.memory_space<hbm>>
          tpu.wait_dma2 semaphore(%run_scoped3A : memref<!tpu.dma_semaphore, #tpu.memory_space<semaphore_mem>>) src(%dma_wait3A_98 : memref<512xi32, #tpu.memory_space<hbm>>) dst(%arg8 : memref<512xi32, #tpu.memory_space<vmem>>)
          tpu.yield
        }) : () -> ()
        %add3A_80 = arith.addi %mul3A_10, %add3A_57 : i32
        %add3A_81 = arith.constant 1 : i32
        %add3A_82 = arith.addi %add3A_80, %add3A_81 : i32
        "tpu.region"() ({
          %run_scoped3A = tpu.sem_alloc : memref<!tpu.dma_semaphore, #tpu.memory_space<semaphore_mem>>
          %dma_start3A_87 = arith.constant 0 : i32
          %dma_start3A_88 = tpu.memref_slice %arg3[%add3A_82, %dma_start3A_87] : memref<3136x512xi32, #tpu.memory_space<hbm>> -> memref<1x512xi32, #tpu.memory_space<hbm>>
          %dma_start3A_89 = tpu.memref_squeeze %dma_start3A_88 : memref<1x512xi32, #tpu.memory_space<hbm>> -> memref<512xi32, #tpu.memory_space<hbm>>
          %dma_start3A_90 = arith.constant 0 : i32
          %dma_start3A_91 = tpu.memref_slice %arg3[%add3A_82, %dma_start3A_90] : memref<3136x512xi32, #tpu.memory_space<hbm>> -> memref<1x512xi32, #tpu.memory_space<hbm>>
          %dma_start3A_92 = tpu.memref_squeeze %dma_start3A_91 : memref<1x512xi32, #tpu.memory_space<hbm>> -> memref<512xi32, #tpu.memory_space<hbm>>
          tpu.enqueue_dma source(%dma_start3A_92 : memref<512xi32, #tpu.memory_space<hbm>>) target(%arg9 : memref<512xi32, #tpu.memory_space<vmem>>) target_semaphore(%run_scoped3A : memref<!tpu.dma_semaphore, #tpu.memory_space<semaphore_mem>>)
          %dma_wait3A_93 = arith.constant 0 : i32
          %dma_wait3A_94 = tpu.memref_slice %arg3[%add3A_82, %dma_wait3A_93] : memref<3136x512xi32, #tpu.memory_space<hbm>> -> memref<1x512xi32, #tpu.memory_space<hbm>>
          %dma_wait3A_95 = tpu.memref_squeeze %dma_wait3A_94 : memref<1x512xi32, #tpu.memory_space<hbm>> -> memref<512xi32, #tpu.memory_space<hbm>>
          %dma_wait3A_96 = arith.constant 0 : i32
          %dma_wait3A_97 = tpu.memref_slice %arg3[%add3A_82, %dma_wait3A_96] : memref<3136x512xi32, #tpu.memory_space<hbm>> -> memref<1x512xi32, #tpu.memory_space<hbm>>
          %dma_wait3A_98 = tpu.memref_squeeze %dma_wait3A_97 : memref<1x512xi32, #tpu.memory_space<hbm>> -> memref<512xi32, #tpu.memory_space<hbm>>
          tpu.wait_dma2 semaphore(%run_scoped3A : memref<!tpu.dma_semaphore, #tpu.memory_space<semaphore_mem>>) src(%dma_wait3A_98 : memref<512xi32, #tpu.memory_space<hbm>>) dst(%arg9 : memref<512xi32, #tpu.memory_space<vmem>>)
          tpu.yield
        }) : () -> ()
        %dma_start3A_83 = arith.constant 0 : i32
        %dma_start3A_84 = tpu.memref_slice %arg4[%dma_start3A_83] : memref<100352xf32, #tpu.memory_space<hbm>> -> memref<100352xf32, #tpu.memory_space<hbm>>
        tpu.enqueue_indirect_dma source(%dma_start3A_84 : memref<100352xf32, #tpu.memory_space<hbm>>) target(%arg12 : memref<512xf32, #tpu.memory_space<vmem>>) offsets(%arg8 : memref<512xi32, #tpu.memory_space<vmem>>) semaphore(%arg18 : memref<!tpu.dma_semaphore, #tpu.memory_space<semaphore_mem>>)
        %dma_start3A_85 = arith.constant 0 : i32
        %dma_start3A_86 = tpu.memref_slice %arg5[%dma_start3A_85] : memref<100352xf32, #tpu.memory_space<hbm>> -> memref<100352xf32, #tpu.memory_space<hbm>>
        tpu.enqueue_indirect_dma source(%dma_start3A_86 : memref<100352xf32, #tpu.memory_space<hbm>>) target(%arg13 : memref<512xf32, #tpu.memory_space<vmem>>) offsets(%arg8 : memref<512xi32, #tpu.memory_space<vmem>>) semaphore(%arg18 : memref<!tpu.dma_semaphore, #tpu.memory_space<semaphore_mem>>)
      } else {
      }
      %dma_wait3A_65 = arith.constant 0 : i32
      %dma_wait3A_66 = tpu.memref_slice %arg4[%dma_wait3A_65] : memref<100352xf32, #tpu.memory_space<hbm>> -> memref<100352xf32, #tpu.memory_space<hbm>>
      tpu.wait_indirect_dma semaphore(%arg19 : memref<!tpu.dma_semaphore, #tpu.memory_space<semaphore_mem>>) src(%dma_wait3A_66 : memref<100352xf32, #tpu.memory_space<hbm>>) dst(%arg14 : memref<512xf32, #tpu.memory_space<vmem>>)
      %dma_wait3A_67 = arith.constant 0 : i32
      %dma_wait3A_68 = tpu.memref_slice %arg5[%dma_wait3A_67] : memref<100352xf32, #tpu.memory_space<hbm>> -> memref<100352xf32, #tpu.memory_space<hbm>>
      tpu.wait_indirect_dma semaphore(%arg19 : memref<!tpu.dma_semaphore, #tpu.memory_space<semaphore_mem>>) src(%dma_wait3A_68 : memref<100352xf32, #tpu.memory_space<hbm>>) dst(%arg15 : memref<512xf32, #tpu.memory_space<vmem>>)
      %dma_start3A_69 = arith.constant 0 : i32
      %dma_start3A_70 = tpu.memref_slice %arg16[%dma_start3A_69] : memref<100352xf32, #tpu.memory_space<vmem_shared>> -> memref<100352xf32, #tpu.memory_space<vmem_shared>>
      tpu.enqueue_indirect_dma source(%arg14 : memref<512xf32, #tpu.memory_space<vmem>>) target(%dma_start3A_70 : memref<100352xf32, #tpu.memory_space<vmem_shared>>) offsets(%arg11 : memref<512xi32, #tpu.memory_space<vmem>>) semaphore(%arg21 : memref<!tpu.dma_semaphore, #tpu.memory_space<semaphore_mem>>) {add = true}
      %dma_start3A_71 = arith.constant 0 : i32
      %dma_start3A_72 = tpu.memref_slice %arg17[%dma_start3A_71] : memref<100352xf32, #tpu.memory_space<vmem_shared>> -> memref<100352xf32, #tpu.memory_space<vmem_shared>>
      tpu.enqueue_indirect_dma source(%arg15 : memref<512xf32, #tpu.memory_space<vmem>>) target(%dma_start3A_72 : memref<100352xf32, #tpu.memory_space<vmem_shared>>) offsets(%arg11 : memref<512xi32, #tpu.memory_space<vmem>>) semaphore(%arg21 : memref<!tpu.dma_semaphore, #tpu.memory_space<semaphore_mem>>) {add = true}
      %dma_wait3A_73 = arith.constant 0 : i32
      %dma_wait3A_74 = tpu.memref_slice %arg16[%dma_wait3A_73] : memref<100352xf32, #tpu.memory_space<vmem_shared>> -> memref<100352xf32, #tpu.memory_space<vmem_shared>>
      tpu.wait_indirect_dma semaphore(%arg21 : memref<!tpu.dma_semaphore, #tpu.memory_space<semaphore_mem>>) src(%arg14 : memref<512xf32, #tpu.memory_space<vmem>>) dst(%dma_wait3A_74 : memref<100352xf32, #tpu.memory_space<vmem_shared>>)
      %dma_wait3A_75 = arith.constant 0 : i32
      %dma_wait3A_76 = tpu.memref_slice %arg17[%dma_wait3A_75] : memref<100352xf32, #tpu.memory_space<vmem_shared>> -> memref<100352xf32, #tpu.memory_space<vmem_shared>>
      tpu.wait_indirect_dma semaphore(%arg21 : memref<!tpu.dma_semaphore, #tpu.memory_space<semaphore_mem>>) src(%arg15 : memref<512xf32, #tpu.memory_space<vmem>>) dst(%dma_wait3A_76 : memref<100352xf32, #tpu.memory_space<vmem_shared>>)
    }
    %scan3A_18 = arith.constant 49 : i32
    %barrier3A_19 = arith.constant 0 : index
    tpu.barrier barrier_id(%barrier3A_19)
    %mul3A_20 = arith.constant 2 : i32
    %mul3A_21 = arith.muli %arg0, %mul3A_20 : i32
    %mul3A_22 = arith.constant 100352 : i32
    %mul3A_23 = arith.muli %mul3A_21, %mul3A_22 : i32
    %mul3A_24 = arith.constant 6272 : i32
    %mul3A_25 = arith.muli %arg1, %mul3A_24 : i32
    %mul3A_26 = arith.constant 6272 : i32
    %mul3A_27 = arith.muli %arg1, %mul3A_26 : i32
    %add3A_28 = arith.addi %mul3A_23, %mul3A_27 : i32
    "tpu.region"() ({
      %run_scoped3A = tpu.sem_alloc : memref<!tpu.dma_semaphore, #tpu.memory_space<semaphore_mem>>
      %dma_start3A_36 = tpu.memref_slice %arg7[%add3A_28] : memref<401408xf32, #tpu.memory_space<hbm>> -> memref<6272xf32, #tpu.memory_space<hbm>>
      %dma_start3A_37 = tpu.memref_slice %arg16[%mul3A_25] : memref<100352xf32, #tpu.memory_space<vmem_shared>> -> memref<6272xf32, #tpu.memory_space<vmem_shared>>
      tpu.enqueue_dma source(%dma_start3A_37 : memref<6272xf32, #tpu.memory_space<vmem_shared>>) target(%dma_start3A_36 : memref<6272xf32, #tpu.memory_space<hbm>>) target_semaphore(%run_scoped3A : memref<!tpu.dma_semaphore, #tpu.memory_space<semaphore_mem>>)
      %dma_wait3A = tpu.memref_slice %arg7[%add3A_28] : memref<401408xf32, #tpu.memory_space<hbm>> -> memref<6272xf32, #tpu.memory_space<hbm>>
      %dma_wait3A_38 = tpu.memref_slice %arg16[%mul3A_25] : memref<100352xf32, #tpu.memory_space<vmem_shared>> -> memref<6272xf32, #tpu.memory_space<vmem_shared>>
      tpu.wait_dma2 semaphore(%run_scoped3A : memref<!tpu.dma_semaphore, #tpu.memory_space<semaphore_mem>>) src(%dma_wait3A_38 : memref<6272xf32, #tpu.memory_space<vmem_shared>>) dst(%dma_wait3A : memref<6272xf32, #tpu.memory_space<hbm>>)
      tpu.yield
    }) : () -> ()
    %mul3A_29 = arith.constant 6272 : i32
    %mul3A_30 = arith.muli %arg1, %mul3A_29 : i32
    %add3A_31 = arith.constant 100352 : i32
    %add3A_32 = arith.addi %mul3A_23, %add3A_31 : i32
    %mul3A_33 = arith.constant 6272 : i32
    %mul3A_34 = arith.muli %arg1, %mul3A_33 : i32
    %add3A_35 = arith.addi %add3A_32, %mul3A_34 : i32
    "tpu.region"() ({
      %run_scoped3A = tpu.sem_alloc : memref<!tpu.dma_semaphore, #tpu.memory_space<semaphore_mem>>
      %dma_start3A_36 = tpu.memref_slice %arg7[%add3A_35] : memref<401408xf32, #tpu.memory_space<hbm>> -> memref<6272xf32, #tpu.memory_space<hbm>>
      %dma_start3A_37 = tpu.memref_slice %arg17[%mul3A_30] : memref<100352xf32, #tpu.memory_space<vmem_shared>> -> memref<6272xf32, #tpu.memory_space<vmem_shared>>
      tpu.enqueue_dma source(%dma_start3A_37 : memref<6272xf32, #tpu.memory_space<vmem_shared>>) target(%dma_start3A_36 : memref<6272xf32, #tpu.memory_space<hbm>>) target_semaphore(%run_scoped3A : memref<!tpu.dma_semaphore, #tpu.memory_space<semaphore_mem>>)
      %dma_wait3A = tpu.memref_slice %arg7[%add3A_35] : memref<401408xf32, #tpu.memory_space<hbm>> -> memref<6272xf32, #tpu.memory_space<hbm>>
      %dma_wait3A_38 = tpu.memref_slice %arg17[%mul3A_30] : memref<100352xf32, #tpu.memory_space<vmem_shared>> -> memref<6272xf32, #tpu.memory_space<vmem_shared>>
      tpu.wait_dma2 semaphore(%run_scoped3A : memref<!tpu.dma_semaphore, #tpu.memory_space<semaphore_mem>>) src(%dma_wait3A_38 : memref<6272xf32, #tpu.memory_space<vmem_shared>>) dst(%dma_wait3A : memref<6272xf32, #tpu.memory_space<hbm>>)
      tpu.yield
    }) : () -> ()
    return
  }
}

module attributes {stable_mosaic.version = 14 : i64} {
  func.func @prep_body(%arg0: memref<2x100352xf32, #tpu.memory_space<vmem>>, %arg1: memref<2x100352xf32, #tpu.memory_space<vmem>>, %arg2: memref<2x100352xf32, #tpu.memory_space<vmem>>, %arg3: memref<1x100352xf32, #tpu.memory_space<vmem>>) attributes {dimension_semantics = [], scalar_prefetch = 0 : i64, scratch_operands = 0 : i64, tpu.core_type = #tpu.core_type<tc>} {
    %get3A = arith.constant 0 : index
    %get3A_0 = arith.constant 0 : index
    %get3A_1 = vector.load %arg0[%get3A, %get3A_0] : memref<2x100352xf32, #tpu.memory_space<vmem>>, vector<1x100352xf32>
    %get3A_2 = arith.constant 1 : index
    %get3A_3 = arith.constant 0 : index
    %get3A_4 = vector.load %arg0[%get3A_2, %get3A_3] : memref<2x100352xf32, #tpu.memory_space<vmem>>, vector<1x100352xf32>
    %add3A = arith.addf %get3A_1, %get3A_4 : vector<1x100352xf32>
    %add3A_5 = arith.constant 1.000000e+00 : f32
    %add3A_6 = vector.broadcast %add3A_5 : f32 to vector<1x100352xf32>
    %add3A_7 = arith.addf %add3A, %add3A_6 : vector<1x100352xf32>
    %rsqrt3A = math.rsqrt %add3A_7 : vector<1x100352xf32>
    %swap3A = arith.constant 0 : index
    %swap3A_8 = arith.constant 0 : index
    %swap3A_9 = vector.load %arg3[%swap3A, %swap3A_8] : memref<1x100352xf32, #tpu.memory_space<vmem>>, vector<1x100352xf32>
    tpu.vector_store %arg3[%swap3A, %swap3A_8], %rsqrt3A {strides = array<i32>} : memref<1x100352xf32, #tpu.memory_space<vmem>>, vector<1x100352xf32>,
    %get3A_10 = arith.constant 0 : index
    %get3A_11 = arith.constant 0 : index
    %get3A_12 = vector.load %arg1[%get3A_10, %get3A_11] : memref<2x100352xf32, #tpu.memory_space<vmem>>, vector<2x100352xf32>
    %mul3A = vector.broadcast %rsqrt3A : vector<1x100352xf32> to vector<2x100352xf32>
    %mul3A_13 = arith.mulf %get3A_12, %mul3A : vector<2x100352xf32>
    %swap3A_14 = arith.constant 0 : index
    %swap3A_15 = arith.constant 0 : index
    %swap3A_16 = vector.load %arg2[%swap3A_14, %swap3A_15] : memref<2x100352xf32, #tpu.memory_space<vmem>>, vector<2x100352xf32>
    tpu.vector_store %arg2[%swap3A_14, %swap3A_15], %mul3A_13 {strides = array<i32>} : memref<2x100352xf32, #tpu.memory_space<vmem>>, vector<2x100352xf32>,
    return
  }
}

module attributes {stable_mosaic.version = 14 : i64} {
  func.func @out_body(%arg0: i32, %arg1: memref<4x2048xf32, #tpu.memory_space<vmem>>, %arg2: memref<2x2048xf32, #tpu.memory_space<vmem>>, %arg3: memref<1x2048xf32, #tpu.memory_space<vmem>>, %arg4: memref<214x2xf32, #tpu.memory_space<vmem>>, %arg5: memref<214x1xf32, #tpu.memory_space<vmem>>, %arg6: memref<214x1xf32, #tpu.memory_space<vmem>>, %arg7: memref<214x1xf32, #tpu.memory_space<vmem>>, %arg8: memref<214x1xf32, #tpu.memory_space<vmem>>, %arg9: memref<214x1xf32, #tpu.memory_space<vmem>>, %arg10: memref<214x214xf32, #tpu.memory_space<vmem>>, %arg11: memref<214x1xf32, #tpu.memory_space<vmem>>, %arg12: memref<214x2048xf32, #tpu.memory_space<vmem>>, %arg13: memref<214x2048xf32, #tpu.memory_space<vmem>>) attributes {dimension_semantics = [#tpu.dimension_semantics<arbitrary>], iteration_bounds = array<i64: 49>, scalar_prefetch = 0 : i64, scratch_operands = 0 : i64, tpu.core_type = #tpu.core_type<tc>, window_params = [{transform_indices = @transform_0, window_bounds = array<i64: 4, 2048>}, {transform_indices = @transform_1, window_bounds = array<i64: 2, 2048>}, {transform_indices = @transform_2, window_bounds = array<i64: 1, 2048>}, {pipeline_mode = #tpu.pipeline_mode<synchronous>, transform_indices = @transform_3, window_bounds = array<i64: 214, 2>}, {pipeline_mode = #tpu.pipeline_mode<synchronous>, transform_indices = @transform_4, window_bounds = array<i64: 214, 1>}, {pipeline_mode = #tpu.pipeline_mode<synchronous>, transform_indices = @transform_5, window_bounds = array<i64: 214, 1>}, {pipeline_mode = #tpu.pipeline_mode<synchronous>, transform_indices = @transform_6, window_bounds = array<i64: 214, 1>}, {pipeline_mode = #tpu.pipeline_mode<synchronous>, transform_indices = @transform_7, window_bounds = array<i64: 214, 1>}, {pipeline_mode = #tpu.pipeline_mode<synchronous>, transform_indices = @transform_8, window_bounds = array<i64: 214, 1>}, {pipeline_mode = #tpu.pipeline_mode<synchronous>, transform_indices = @transform_9, window_bounds = array<i64: 214, 214>}, {pipeline_mode = #tpu.pipeline_mode<synchronous>, transform_indices = @transform_10, window_bounds = array<i64: 214, 1>}, {transform_indices = @transform_11, window_bounds = array<i64: 214, 2048>}, {transform_indices = @transform_12, window_bounds = array<i64: 214, 2048>}]} {
    %get3A = arith.constant 0 : index
    %get3A_0 = arith.constant 0 : index
    %get3A_1 = vector.load %arg1[%get3A, %get3A_0] : memref<4x2048xf32, #tpu.memory_space<vmem>>, vector<1x2048xf32>
    %get3A_2 = arith.constant 2 : index
    %get3A_3 = arith.constant 0 : index
    %get3A_4 = vector.load %arg1[%get3A_2, %get3A_3] : memref<4x2048xf32, #tpu.memory_space<vmem>>, vector<1x2048xf32>
    %add3A = arith.addf %get3A_1, %get3A_4 : vector<1x2048xf32>
    %get3A_5 = arith.constant 0 : index
    %get3A_6 = arith.constant 0 : index
    %get3A_7 = vector.load %arg2[%get3A_5, %get3A_6] : memref<2x2048xf32, #tpu.memory_space<vmem>>, vector<1x2048xf32>
    %add3A_8 = arith.addf %add3A, %get3A_7 : vector<1x2048xf32>
    %get3A_9 = arith.constant 0 : index
    %get3A_10 = arith.constant 0 : index
    %get3A_11 = vector.load %arg3[%get3A_9, %get3A_10] : memref<1x2048xf32, #tpu.memory_space<vmem>>, vector<1x2048xf32>
    %mul3A = arith.mulf %add3A_8, %get3A_11 : vector<1x2048xf32>
    %get3A_12 = arith.constant 1 : index
    %get3A_13 = arith.constant 0 : index
    %get3A_14 = vector.load %arg1[%get3A_12, %get3A_13] : memref<4x2048xf32, #tpu.memory_space<vmem>>, vector<1x2048xf32>
    %get3A_15 = arith.constant 3 : index
    %get3A_16 = arith.constant 0 : index
    %get3A_17 = vector.load %arg1[%get3A_15, %get3A_16] : memref<4x2048xf32, #tpu.memory_space<vmem>>, vector<1x2048xf32>
    %add3A_18 = arith.addf %get3A_14, %get3A_17 : vector<1x2048xf32>
    %get3A_19 = arith.constant 1 : index
    %get3A_20 = arith.constant 0 : index
    %get3A_21 = vector.load %arg2[%get3A_19, %get3A_20] : memref<2x2048xf32, #tpu.memory_space<vmem>>, vector<1x2048xf32>
    %add3A_22 = arith.addf %add3A_18, %get3A_21 : vector<1x2048xf32>
    %get3A_23 = arith.constant 0 : index
    %get3A_24 = arith.constant 0 : index
    %get3A_25 = vector.load %arg3[%get3A_23, %get3A_24] : memref<1x2048xf32, #tpu.memory_space<vmem>>, vector<1x2048xf32>
    %mul3A_26 = arith.mulf %add3A_22, %get3A_25 : vector<1x2048xf32>
    %get3A_27 = arith.constant 0 : index
    %get3A_28 = arith.constant 0 : index
    %get3A_29 = vector.load %arg4[%get3A_27, %get3A_28] : memref<214x2xf32, #tpu.memory_space<vmem>>, vector<214x1xf32>
    %mul3A_30 = vector.broadcast %mul3A : vector<1x2048xf32> to vector<214x2048xf32>
    %mul3A_31 = vector.broadcast %get3A_29 : vector<214x1xf32> to vector<214x2048xf32>
    %mul3A_32 = arith.mulf %mul3A_30, %mul3A_31 : vector<214x2048xf32>
    %get3A_33 = arith.constant 0 : index
    %get3A_34 = arith.constant 1 : index
    %get3A_35 = vector.load %arg4[%get3A_33, %get3A_34] : memref<214x2xf32, #tpu.memory_space<vmem>>, vector<214x1xf32>
    %mul3A_36 = vector.broadcast %mul3A_26 : vector<1x2048xf32> to vector<214x2048xf32>
    %mul3A_37 = vector.broadcast %get3A_35 : vector<214x1xf32> to vector<214x2048xf32>
    %mul3A_38 = arith.mulf %mul3A_36, %mul3A_37 : vector<214x2048xf32>
    %add3A_39 = arith.addf %mul3A_32, %mul3A_38 : vector<214x2048xf32>
    %get3A_40 = arith.constant 0 : index
    %get3A_41 = arith.constant 0 : index
    %get3A_42 = vector.load %arg5[%get3A_40, %get3A_41] : memref<214x1xf32, #tpu.memory_space<vmem>>, vector<214x1xf32>
    %add3A_43 = vector.broadcast %get3A_42 : vector<214x1xf32> to vector<214x2048xf32>
    %add3A_44 = arith.addf %add3A_39, %add3A_43 : vector<214x2048xf32>
    %max3A = arith.constant 0.000000e+00 : f32
    %max3A_45 = vector.broadcast %max3A : f32 to vector<214x2048xf32>
    %max3A_46 = arith.maximumf %add3A_44, %max3A_45 : vector<214x2048xf32>
    %get3A_47 = arith.constant 0 : index
    %get3A_48 = arith.constant 0 : index
    %get3A_49 = vector.load %arg8[%get3A_47, %get3A_48] : memref<214x1xf32, #tpu.memory_space<vmem>>, vector<214x1xf32>
    %get3A_50 = arith.constant 0 : index
    %get3A_51 = arith.constant 0 : index
    %get3A_52 = vector.load %arg7[%get3A_50, %get3A_51] : memref<214x1xf32, #tpu.memory_space<vmem>>, vector<214x1xf32>
    %add3A_53 = arith.constant 9.99999974E-6 : f32
    %add3A_54 = vector.broadcast %add3A_53 : f32 to vector<214x1xf32>
    %add3A_55 = arith.addf %get3A_52, %add3A_54 : vector<214x1xf32>
    %rsqrt3A = math.rsqrt %add3A_55 : vector<214x1xf32>
    %mul3A_56 = arith.mulf %get3A_49, %rsqrt3A : vector<214x1xf32>
    %get3A_57 = arith.constant 0 : index
    %get3A_58 = arith.constant 0 : index
    %get3A_59 = vector.load %arg6[%get3A_57, %get3A_58] : memref<214x1xf32, #tpu.memory_space<vmem>>, vector<214x1xf32>
    %sub3A = vector.broadcast %get3A_59 : vector<214x1xf32> to vector<214x2048xf32>
    %sub3A_60 = arith.subf %max3A_46, %sub3A : vector<214x2048xf32>
    %mul3A_61 = vector.broadcast %mul3A_56 : vector<214x1xf32> to vector<214x2048xf32>
    %mul3A_62 = arith.mulf %sub3A_60, %mul3A_61 : vector<214x2048xf32>
    %get3A_63 = arith.constant 0 : index
    %get3A_64 = arith.constant 0 : index
    %get3A_65 = vector.load %arg9[%get3A_63, %get3A_64] : memref<214x1xf32, #tpu.memory_space<vmem>>, vector<214x1xf32>
    %add3A_66 = vector.broadcast %get3A_65 : vector<214x1xf32> to vector<214x2048xf32>
    %add3A_67 = arith.addf %mul3A_62, %add3A_66 : vector<214x2048xf32>
    %get3A_68 = arith.constant 0 : index
    %get3A_69 = arith.constant 0 : index
    %get3A_70 = vector.load %arg10[%get3A_68, %get3A_69] : memref<214x214xf32, #tpu.memory_space<vmem>>, vector<214x214xf32>
    %dot_general3A = arith.constant dense<0.000000e+00> : vector<214x2048xf32>
    %dot_general3A_71 = tpu.matmul %get3A_70, %add3A_67, %dot_general3A {dimension_numbers = #tpu.dot_dimension_numbers<[0], [0], [1], [1], [0, 1, 1, 1], [], []>, transpose_lhs_hint = false} : vector<214x214xf32>, vector<214x2048xf32>, vector<214x2048xf32> -> vector<214x2048xf32>
    %get3A_72 = arith.constant 0 : index
    %get3A_73 = arith.constant 0 : index
    %get3A_74 = vector.load %arg11[%get3A_72, %get3A_73] : memref<214x1xf32, #tpu.memory_space<vmem>>, vector<214x1xf32>
    %add3A_75 = vector.broadcast %get3A_74 : vector<214x1xf32> to vector<214x2048xf32>
    %add3A_76 = arith.addf %dot_general3A_71, %add3A_75 : vector<214x2048xf32>
    %swap3A = arith.constant 0 : index
    %swap3A_77 = arith.constant 0 : index
    %swap3A_78 = vector.load %arg13[%swap3A, %swap3A_77] : memref<214x2048xf32, #tpu.memory_space<vmem>>, vector<214x2048xf32>
    tpu.vector_store %arg13[%swap3A, %swap3A_77], %add3A_76 {strides = array<i32>} : memref<214x2048xf32, #tpu.memory_space<vmem>>, vector<214x2048xf32>,
    %reduce_max3A = arith.constant dense<0xFF800000> : vector<2048xf32>
    %reduce_max3A_79 = vector.multi_reduction <maximumf>, %add3A_76, %reduce_max3A [0] : vector<214x2048xf32> to vector<2048xf32>
    %broadcast_in_dim3A = vector.shape_cast %reduce_max3A_79 : vector<2048xf32> to vector<1x2048xf32>
    %sub3A_80 = vector.broadcast %broadcast_in_dim3A : vector<1x2048xf32> to vector<214x2048xf32>
    %sub3A_81 = arith.subf %add3A_76, %sub3A_80 : vector<214x2048xf32>
    %exp3A = math.exp %sub3A_81 : vector<214x2048xf32>
    %reduce_sum3A = arith.constant dense<0.000000e+00> : vector<2048xf32>
    %reduce_sum3A_82 = vector.multi_reduction <add>, %exp3A, %reduce_sum3A [0] : vector<214x2048xf32> to vector<2048xf32>
    %broadcast_in_dim3A_83 = vector.shape_cast %reduce_sum3A_82 : vector<2048xf32> to vector<1x2048xf32>
    %log3A = math.log %broadcast_in_dim3A_83 : vector<1x2048xf32>
    %sub3A_84 = vector.broadcast %log3A : vector<1x2048xf32> to vector<214x2048xf32>
    %sub3A_85 = arith.subf %sub3A_81, %sub3A_84 : vector<214x2048xf32>
    %swap3A_86 = arith.constant 0 : index
    %swap3A_87 = arith.constant 0 : index
    %swap3A_88 = vector.load %arg12[%swap3A_86, %swap3A_87] : memref<214x2048xf32, #tpu.memory_space<vmem>>, vector<214x2048xf32>
    tpu.vector_store %arg12[%swap3A_86, %swap3A_87], %sub3A_85 {strides = array<i32>} : memref<214x2048xf32, #tpu.memory_space<vmem>>, vector<214x2048xf32>,
    return
  }
  func.func @transform_0(%arg0: i32) -> (i32, i32) {
    %c0_i32 = arith.constant 0 : i32
    %c0_i32_0 = arith.constant 0 : i32
    return %c0_i32, %arg0 : i32, i32
  }
  func.func @transform_1(%arg0: i32) -> (i32, i32) {
    %c0_i32 = arith.constant 0 : i32
    %c0_i32_0 = arith.constant 0 : i32
    return %c0_i32, %arg0 : i32, i32
  }
  func.func @transform_2(%arg0: i32) -> (i32, i32) {
    %c0_i32 = arith.constant 0 : i32
    %c0_i32_0 = arith.constant 0 : i32
    return %c0_i32, %arg0 : i32, i32
  }
  func.func @transform_3(%arg0: i32) -> (i32, i32) {
    %c0_i32 = arith.constant 0 : i32
    %c0_i32_0 = arith.constant 0 : i32
    %c0_i32_1 = arith.constant 0 : i32
    return %c0_i32, %c0_i32_0 : i32, i32
  }
  func.func @transform_4(%arg0: i32) -> (i32, i32) {
    %c0_i32 = arith.constant 0 : i32
    %c0_i32_0 = arith.constant 0 : i32
    %c0_i32_1 = arith.constant 0 : i32
    return %c0_i32, %c0_i32_0 : i32, i32
  }
  func.func @transform_5(%arg0: i32) -> (i32, i32) {
    %c0_i32 = arith.constant 0 : i32
    %c0_i32_0 = arith.constant 0 : i32
    %c0_i32_1 = arith.constant 0 : i32
    return %c0_i32, %c0_i32_0 : i32, i32
  }
  func.func @transform_6(%arg0: i32) -> (i32, i32) {
    %c0_i32 = arith.constant 0 : i32
    %c0_i32_0 = arith.constant 0 : i32
    %c0_i32_1 = arith.constant 0 : i32
    return %c0_i32, %c0_i32_0 : i32, i32
  }
  func.func @transform_7(%arg0: i32) -> (i32, i32) {
    %c0_i32 = arith.constant 0 : i32
    %c0_i32_0 = arith.constant 0 : i32
    %c0_i32_1 = arith.constant 0 : i32
    return %c0_i32, %c0_i32_0 : i32, i32
  }
  func.func @transform_8(%arg0: i32) -> (i32, i32) {
    %c0_i32 = arith.constant 0 : i32
    %c0_i32_0 = arith.constant 0 : i32
    %c0_i32_1 = arith.constant 0 : i32
    return %c0_i32, %c0_i32_0 : i32, i32
  }
  func.func @transform_9(%arg0: i32) -> (i32, i32) {
    %c0_i32 = arith.constant 0 : i32
    %c0_i32_0 = arith.constant 0 : i32
    %c0_i32_1 = arith.constant 0 : i32
    return %c0_i32, %c0_i32_0 : i32, i32
  }
  func.func @transform_10(%arg0: i32) -> (i32, i32) {
    %c0_i32 = arith.constant 0 : i32
    %c0_i32_0 = arith.constant 0 : i32
    %c0_i32_1 = arith.constant 0 : i32
    return %c0_i32, %c0_i32_0 : i32, i32
  }
  func.func @transform_11(%arg0: i32) -> (i32, i32) {
    %c0_i32 = arith.constant 0 : i32
    %c0_i32_0 = arith.constant 0 : i32
    return %c0_i32, %arg0 : i32, i32
  }
  func.func @transform_12(%arg0: i32) -> (i32, i32) {
    %c0_i32 = arith.constant 0 : i32
    %c0_i32_0 = arith.constant 0 : i32
    return %c0_i32, %arg0 : i32, i32
  }
}

module attributes {stable_mosaic.version = 14 : i64} {
  func.func @stats_body(%arg0: i32, %arg1: memref<4x2048xf32, #tpu.memory_space<vmem>>, %arg2: memref<2x2048xf32, #tpu.memory_space<vmem>>, %arg3: memref<1x2048xf32, #tpu.memory_space<vmem>>, %arg4: memref<214x2xf32, #tpu.memory_space<vmem>>, %arg5: memref<214x1xf32, #tpu.memory_space<vmem>>, %arg6: memref<214x1xf32, #tpu.memory_space<vmem>>, %arg7: memref<214x1xf32, #tpu.memory_space<vmem>>, %arg8: memref<214x1xf32, #tpu.memory_space<vmem>>, %arg9: memref<214x1xf32, #tpu.memory_space<vmem>>) attributes {dimension_semantics = [#tpu.dimension_semantics<arbitrary>], iteration_bounds = array<i64: 49>, scalar_prefetch = 0 : i64, scratch_operands = 2 : i64, tpu.core_type = #tpu.core_type<tc>, window_params = [{transform_indices = @transform_0, window_bounds = array<i64: 4, 2048>}, {transform_indices = @transform_1, window_bounds = array<i64: 2, 2048>}, {transform_indices = @transform_2, window_bounds = array<i64: 1, 2048>}, {pipeline_mode = #tpu.pipeline_mode<synchronous>, transform_indices = @transform_3, window_bounds = array<i64: 214, 2>}, {pipeline_mode = #tpu.pipeline_mode<synchronous>, transform_indices = @transform_4, window_bounds = array<i64: 214, 1>}, {pipeline_mode = #tpu.pipeline_mode<synchronous>, transform_indices = @transform_5, window_bounds = array<i64: 214, 1>}, {pipeline_mode = #tpu.pipeline_mode<synchronous>, transform_indices = @transform_6, window_bounds = array<i64: 214, 1>}]} {
    %get3A = arith.constant 0 : index
    %get3A_0 = arith.constant 0 : index
    %get3A_1 = vector.load %arg1[%get3A, %get3A_0] : memref<4x2048xf32, #tpu.memory_space<vmem>>, vector<1x2048xf32>
    %get3A_2 = arith.constant 2 : index
    %get3A_3 = arith.constant 0 : index
    %get3A_4 = vector.load %arg1[%get3A_2, %get3A_3] : memref<4x2048xf32, #tpu.memory_space<vmem>>, vector<1x2048xf32>
    %add3A = arith.addf %get3A_1, %get3A_4 : vector<1x2048xf32>
    %get3A_5 = arith.constant 0 : index
    %get3A_6 = arith.constant 0 : index
    %get3A_7 = vector.load %arg2[%get3A_5, %get3A_6] : memref<2x2048xf32, #tpu.memory_space<vmem>>, vector<1x2048xf32>
    %add3A_8 = arith.addf %add3A, %get3A_7 : vector<1x2048xf32>
    %get3A_9 = arith.constant 0 : index
    %get3A_10 = arith.constant 0 : index
    %get3A_11 = vector.load %arg3[%get3A_9, %get3A_10] : memref<1x2048xf32, #tpu.memory_space<vmem>>, vector<1x2048xf32>
    %mul3A = arith.mulf %add3A_8, %get3A_11 : vector<1x2048xf32>
    %get3A_12 = arith.constant 1 : index
    %get3A_13 = arith.constant 0 : index
    %get3A_14 = vector.load %arg1[%get3A_12, %get3A_13] : memref<4x2048xf32, #tpu.memory_space<vmem>>, vector<1x2048xf32>
    %get3A_15 = arith.constant 3 : index
    %get3A_16 = arith.constant 0 : index
    %get3A_17 = vector.load %arg1[%get3A_15, %get3A_16] : memref<4x2048xf32, #tpu.memory_space<vmem>>, vector<1x2048xf32>
    %add3A_18 = arith.addf %get3A_14, %get3A_17 : vector<1x2048xf32>
    %get3A_19 = arith.constant 1 : index
    %get3A_20 = arith.constant 0 : index
    %get3A_21 = vector.load %arg2[%get3A_19, %get3A_20] : memref<2x2048xf32, #tpu.memory_space<vmem>>, vector<1x2048xf32>
    %add3A_22 = arith.addf %add3A_18, %get3A_21 : vector<1x2048xf32>
    %get3A_23 = arith.constant 0 : index
    %get3A_24 = arith.constant 0 : index
    %get3A_25 = vector.load %arg3[%get3A_23, %get3A_24] : memref<1x2048xf32, #tpu.memory_space<vmem>>, vector<1x2048xf32>
    %mul3A_26 = arith.mulf %add3A_22, %get3A_25 : vector<1x2048xf32>
    %get3A_27 = arith.constant 0 : index
    %get3A_28 = arith.constant 0 : index
    %get3A_29 = vector.load %arg4[%get3A_27, %get3A_28] : memref<214x2xf32, #tpu.memory_space<vmem>>, vector<214x1xf32>
    %mul3A_30 = vector.broadcast %mul3A : vector<1x2048xf32> to vector<214x2048xf32>
    %mul3A_31 = vector.broadcast %get3A_29 : vector<214x1xf32> to vector<214x2048xf32>
    %mul3A_32 = arith.mulf %mul3A_30, %mul3A_31 : vector<214x2048xf32>
    %get3A_33 = arith.constant 0 : index
    %get3A_34 = arith.constant 1 : index
    %get3A_35 = vector.load %arg4[%get3A_33, %get3A_34] : memref<214x2xf32, #tpu.memory_space<vmem>>, vector<214x1xf32>
    %mul3A_36 = vector.broadcast %mul3A_26 : vector<1x2048xf32> to vector<214x2048xf32>
    %mul3A_37 = vector.broadcast %get3A_35 : vector<214x1xf32> to vector<214x2048xf32>
    %mul3A_38 = arith.mulf %mul3A_36, %mul3A_37 : vector<214x2048xf32>
    %add3A_39 = arith.addf %mul3A_32, %mul3A_38 : vector<214x2048xf32>
    %get3A_40 = arith.constant 0 : index
    %get3A_41 = arith.constant 0 : index
    %get3A_42 = vector.load %arg5[%get3A_40, %get3A_41] : memref<214x1xf32, #tpu.memory_space<vmem>>, vector<214x1xf32>
    %add3A_43 = vector.broadcast %get3A_42 : vector<214x1xf32> to vector<214x2048xf32>
    %add3A_44 = arith.addf %add3A_39, %add3A_43 : vector<214x2048xf32>
    %max3A = arith.constant 0.000000e+00 : f32
    %max3A_45 = vector.broadcast %max3A : f32 to vector<214x2048xf32>
    %max3A_46 = arith.maximumf %add3A_44, %max3A_45 : vector<214x2048xf32>
    %iota3A = tpu.iota {dimensions = array<i32: 1>} : vector<1x2048xi32>
    %mul3A_47 = arith.constant 2048 : i32
    %mul3A_48 = arith.muli %arg0, %mul3A_47 : i32
    %add3A_49 = vector.broadcast %mul3A_48 : i32 to vector<1x2048xi32>
    %add3A_50 = arith.addi %iota3A, %add3A_49 : vector<1x2048xi32>
    %lt3A = arith.constant 100000 : i32
    %lt3A_51 = vector.broadcast %lt3A : i32 to vector<1x2048xi32>
    %lt3A_52 = arith.cmpi slt, %add3A_50, %lt3A_51 : vector<1x2048xi32>
    %jit3A = arith.constant 0.000000e+00 : f32
    %broadcast_in_dim3A = vector.shape_cast %lt3A_52 : vector<1x2048xi1> to vector<1x2048xi1>
    %broadcast_in_dim3A_53 = vector.broadcast %broadcast_in_dim3A : vector<1x2048xi1> to vector<214x2048xi1>
    %broadcast_in_dim3A_54 = vector.broadcast %jit3A : f32 to vector<214x2048xf32>
    %select_n3A = arith.select %broadcast_in_dim3A_53, %max3A_46, %broadcast_in_dim3A_54 : vector<214x2048xi1>, vector<214x2048xf32>
    %reduce_sum3A = arith.constant dense<0.000000e+00> : vector<214xf32>
    %reduce_sum3A_55 = vector.multi_reduction <add>, %select_n3A, %reduce_sum3A [1] : vector<214x2048xf32> to vector<214xf32>
    %broadcast_in_dim3A_56 = vector.shape_cast %reduce_sum3A_55 : vector<214xf32> to vector<214x1xf32>
    %mul3A_57 = arith.mulf %select_n3A, %select_n3A : vector<214x2048xf32>
    %reduce_sum3A_58 = arith.constant dense<0.000000e+00> : vector<214xf32>
    %reduce_sum3A_59 = vector.multi_reduction <add>, %mul3A_57, %reduce_sum3A_58 [1] : vector<214x2048xf32> to vector<214xf32>
    %broadcast_in_dim3A_60 = vector.shape_cast %reduce_sum3A_59 : vector<214xf32> to vector<214x1xf32>
    %eq3A = arith.constant 0 : i32
    %eq3A_61 = arith.cmpi eq, %arg0, %eq3A : i32
    %convert_element_type3A = arith.extui %eq3A_61 : i1 to i32
    %cond3A = arith.constant 0 : i32
    %cond3A_62 = arith.cmpi ne, %convert_element_type3A, %cond3A : i32
    scf.if %cond3A_62 {
      %swap3A = arith.constant 0 : index
      %swap3A_72 = arith.constant 0 : index
      %swap3A_73 = vector.load %arg8[%swap3A, %swap3A_72] : memref<214x1xf32, #tpu.memory_space<vmem>>, vector<214x1xf32>
      tpu.vector_store %arg8[%swap3A, %swap3A_72], %broadcast_in_dim3A_56 {strides = array<i32>} : memref<214x1xf32, #tpu.memory_space<vmem>>, vector<214x1xf32>,
      %swap3A_74 = arith.constant 0 : index
      %swap3A_75 = arith.constant 0 : index
      %swap3A_76 = vector.load %arg9[%swap3A_74, %swap3A_75] : memref<214x1xf32, #tpu.memory_space<vmem>>, vector<214x1xf32>
      tpu.vector_store %arg9[%swap3A_74, %swap3A_75], %broadcast_in_dim3A_60 {strides = array<i32>} : memref<214x1xf32, #tpu.memory_space<vmem>>, vector<214x1xf32>,
    } else {
    }
    %gt3A = arith.constant 0 : i32
    %gt3A_63 = arith.cmpi sgt, %arg0, %gt3A : i32
    %convert_element_type3A_64 = arith.extui %gt3A_63 : i1 to i32
    %cond3A_65 = arith.constant 0 : i32
    %cond3A_66 = arith.cmpi ne, %convert_element_type3A_64, %cond3A_65 : i32
    scf.if %cond3A_66 {
      %get3A_72 = arith.constant 0 : index
      %get3A_73 = arith.constant 0 : index
      %get3A_74 = vector.load %arg8[%get3A_72, %get3A_73] : memref<214x1xf32, #tpu.memory_space<vmem>>, vector<214x1xf32>
      %add3A_75 = arith.addf %get3A_74, %broadcast_in_dim3A_56 : vector<214x1xf32>
      %swap3A = arith.constant 0 : index
      %swap3A_76 = arith.constant 0 : index
      %swap3A_77 = vector.load %arg8[%swap3A, %swap3A_76] : memref<214x1xf32, #tpu.memory_space<vmem>>, vector<214x1xf32>
      tpu.vector_store %arg8[%swap3A, %swap3A_76], %add3A_75 {strides = array<i32>} : memref<214x1xf32, #tpu.memory_space<vmem>>, vector<214x1xf32>,
      %get3A_78 = arith.constant 0 : index
      %get3A_79 = arith.constant 0 : index
      %get3A_80 = vector.load %arg9[%get3A_78, %get3A_79] : memref<214x1xf32, #tpu.memory_space<vmem>>, vector<214x1xf32>
      %add3A_81 = arith.addf %get3A_80, %broadcast_in_dim3A_60 : vector<214x1xf32>
      %swap3A_82 = arith.constant 0 : index
      %swap3A_83 = arith.constant 0 : index
      %swap3A_84 = vector.load %arg9[%swap3A_82, %swap3A_83] : memref<214x1xf32, #tpu.memory_space<vmem>>, vector<214x1xf32>
      tpu.vector_store %arg9[%swap3A_82, %swap3A_83], %add3A_81 {strides = array<i32>} : memref<214x1xf32, #tpu.memory_space<vmem>>, vector<214x1xf32>,
    } else {
    }
    %eq3A_67 = arith.constant 48 : i32
    %eq3A_68 = arith.cmpi eq, %arg0, %eq3A_67 : i32
    %convert_element_type3A_69 = arith.extui %eq3A_68 : i1 to i32
    %cond3A_70 = arith.constant 0 : i32
    %cond3A_71 = arith.cmpi ne, %convert_element_type3A_69, %cond3A_70 : i32
    scf.if %cond3A_71 {
      %get3A_72 = arith.constant 0 : index
      %get3A_73 = arith.constant 0 : index
      %get3A_74 = vector.load %arg8[%get3A_72, %get3A_73] : memref<214x1xf32, #tpu.memory_space<vmem>>, vector<214x1xf32>
      %mul3A_75 = arith.constant 9.99999974E-6 : f32
      %mul3A_76 = vector.broadcast %mul3A_75 : f32 to vector<214x1xf32>
      %mul3A_77 = arith.mulf %get3A_74, %mul3A_76 : vector<214x1xf32>
      %swap3A = arith.constant 0 : index
      %swap3A_78 = arith.constant 0 : index
      %swap3A_79 = vector.load %arg6[%swap3A, %swap3A_78] : memref<214x1xf32, #tpu.memory_space<vmem>>, vector<214x1xf32>
      tpu.vector_store %arg6[%swap3A, %swap3A_78], %mul3A_77 {strides = array<i32>} : memref<214x1xf32, #tpu.memory_space<vmem>>, vector<214x1xf32>,
      %get3A_80 = arith.constant 0 : index
      %get3A_81 = arith.constant 0 : index
      %get3A_82 = vector.load %arg9[%get3A_80, %get3A_81] : memref<214x1xf32, #tpu.memory_space<vmem>>, vector<214x1xf32>
      %mul3A_83 = arith.constant 9.99999974E-6 : f32
      %mul3A_84 = vector.broadcast %mul3A_83 : f32 to vector<214x1xf32>
      %mul3A_85 = arith.mulf %get3A_82, %mul3A_84 : vector<214x1xf32>
      %mul3A_86 = arith.mulf %mul3A_77, %mul3A_77 : vector<214x1xf32>
      %sub3A = arith.subf %mul3A_85, %mul3A_86 : vector<214x1xf32>
      %swap3A_87 = arith.constant 0 : index
      %swap3A_88 = arith.constant 0 : index
      %swap3A_89 = vector.load %arg7[%swap3A_87, %swap3A_88] : memref<214x1xf32, #tpu.memory_space<vmem>>, vector<214x1xf32>
      tpu.vector_store %arg7[%swap3A_87, %swap3A_88], %sub3A {strides = array<i32>} : memref<214x1xf32, #tpu.memory_space<vmem>>, vector<214x1xf32>,
    } else {
    }
    return
  }
  func.func @transform_0(%arg0: i32) -> (i32, i32) {
    %c0_i32 = arith.constant 0 : i32
    %c0_i32_0 = arith.constant 0 : i32
    return %c0_i32, %arg0 : i32, i32
  }
  func.func @transform_1(%arg0: i32) -> (i32, i32) {
    %c0_i32 = arith.constant 0 : i32
    %c0_i32_0 = arith.constant 0 : i32
    return %c0_i32, %arg0 : i32, i32
  }
  func.func @transform_2(%arg0: i32) -> (i32, i32) {
    %c0_i32 = arith.constant 0 : i32
    %c0_i32_0 = arith.constant 0 : i32
    return %c0_i32, %arg0 : i32, i32
  }
  func.func @transform_3(%arg0: i32) -> (i32, i32) {
    %c0_i32 = arith.constant 0 : i32
    %c0_i32_0 = arith.constant 0 : i32
    %c0_i32_1 = arith.constant 0 : i32
    return %c0_i32, %c0_i32_0 : i32, i32
  }
  func.func @transform_4(%arg0: i32) -> (i32, i32) {
    %c0_i32 = arith.constant 0 : i32
    %c0_i32_0 = arith.constant 0 : i32
    %c0_i32_1 = arith.constant 0 : i32
    return %c0_i32, %c0_i32_0 : i32, i32
  }
  func.func @transform_5(%arg0: i32) -> (i32, i32) {
    %c0_i32 = arith.constant 0 : i32
    %c0_i32_0 = arith.constant 0 : i32
    %c0_i32_1 = arith.constant 0 : i32
    return %c0_i32, %c0_i32_0 : i32, i32
  }
  func.func @transform_6(%arg0: i32) -> (i32, i32) {
    %c0_i32 = arith.constant 0 : i32
    %c0_i32_0 = arith.constant 0 : i32
    %c0_i32_1 = arith.constant 0 : i32
    return %c0_i32, %c0_i32_0 : i32, i32
  }
}

</mosaic_0001>

<sc_bundles>
// kernel: kernel.10.cloned.1.call-start
scs
__scs_entry_jumppad:
0x0: {  	(pc) =	sbr.rel $0x88, $3  }
0x1: {  	(tag) =	ssettag $0x0;
	lr =	simm.s32 $0x1  }
0x2: {  	[smem:$0x3F99] =	sst lr;
	_ =	strace $0xD0000000  }
0x3: {  	_ = 	snop  }
0x4: {  	_ = 	snop  }
0x5: {  	_ = 	snop  }
0x6: {  	_ = 	snop  }
0x7: {  	_ = 	snop  }
__scs_overlays_trampoline_lowered:
0x8: {  	[smem:$0x3FA8] =	sst s0  }
0x9: {  	[smem:$0x3FA9] =	sst s1  }
0xa: {  	[smem:$0x3FAA] =	sst s2  }
0xb: {  	[smem:$0x3FAB] =	sst s3  }
0xc: {  	[smem:$0x3FAC] =	sst s4  }
0xd: {  	[smem:$0x3FAD] =	sst s5  }
0xe: {  	[smem:$0x3FAE] =	sst s6  }
0xf: {  	[smem:$0x3FAF] =	sst s7  }
0x10: {  	[smem:$0x3FB0] =	sst s8  }
0x11: {  	[smem:$0x3FB1] =	sst s9;
	s0 =	simm.s32 @!p0 $0x0  }
0x12: {  	s1 =	sld [smem:$0x3F97];
	s0 =	simm.s32 @p0 $0x1  }
0x13: {  	[smem:$0x3FB2] =	sst s0;
	s0 =	simm.s32 @!p1 $0x0  }
0x14: {  	s2 =	sld [smem:$0x3F96];
	s0 =	simm.s32 @p1 $0x1  }
0x15: {  	[smem:$0x3FB3] =	sst s0;
	s0 =	simm.s32 @!p2 $0x0  }
0x16: {  	s3 =	sld [smem:$0x3FDB];
	s0 =	simm.s32 @p2 $0x1  }
0x17: {  	s4 =	simm.s32 $0x1BF5;
	[smem:$0x3FB5] =	sst s0  }
0x18: {  	s0 =	sld [smem:$0x3F98];
	_ =	swait.ge [sflag:s4], $0x0  }
0x19: {  	s7 =	sld [smem:$0x3F99]  }
0x1a: {  	s8 =	sadd.s32 $0xFFFFE003, lr  }
0x1b: {  	s9 =	sadd.s32 $0xFFFFFEF7, lr;
	s5 =	simm.s32 $0xFFFFFFFF;
	p2 =	slt.u32 s8, $0xFFFFF086  }
0x1c: {  	p1 =	slt.u32 s9, $0xF7A;
	s5 =	simm.s32 @!p2 $0x0  }
0x1d: {  	s5 =	simm.s32 @p1 $0x1;
	p0 =	seq.s32 s7, s2  }
0x1e: {  	s7 =	smul.u32 @!p0 $0xF7A, s2;
	p2 =	seq.s32 @!p0 s5, $0x0  }
0x1f: {  	s9 =	smul.u32 $0xF7A, s1;
	s8 =	simm.s32 @!p0 $0x1BF5;
	p2 =	por !p2, p0  }
0x20: {  	[sflag:s8] =	ssyncset.s32 @!p0 $0xFFFFF086;
	s6 =	sadd.s32 @!p0 s3, s7;
	s7 =	simm.s32 @!p0 $0x108  }
0x21: {  	s3 =	sadd.s32 s3, s9;
	s6 =	sadd.s32 @!p0 $0x88, s6;
	s7 =	simm.s32 @p2 $0x1082  }
0x22: {  	[simem:s7], [sflag:s8] =	dma.local @!p0 [hbm:s6], $0xF7A  }
0x23: {  	s9 =	sor.u32 $0xD0000000, s2;
	s6 =	simm.s32 $0x108;
	_ =	swait.ge @!p0 [sflag:s8], $0x0  }
0x24: {  	s3 =	sadd.s32 $0x88, s3;
	s6 =	simm.s32 @!p1 $0x1082;
	[sflag:s4] =	ssyncset.s32 $0xFFFFF086  }
0x25: {  	[simem:s6], [sflag:s4] =	dma.local [hbm:s3], $0xF7A  }
0x26: {  	[smem:$0x3F99] =	sst s1;
	(tag) =	ssettag s2;
	_ =	strace s9  }
0x27: {  	s1 =	sld [smem:$0x3FA9]  }
0x28: {  	s2 =	sld [smem:$0x3FAA]  }
0x29: {  	s4 =	sld [smem:$0x3FAC]  }
0x2a: {  	p0 =	seq.s32 s5, $0x0;
	s5 =	sld [smem:$0x3FAD]  }
0x2b: {  	s6 =	sld [smem:$0x3FAE]  }
0x2c: {  	s7 =	sld [smem:$0x3FAF]  }
0x2d: {  	s3 =	simm.s32 $0x108;
	s8 =	sld [smem:$0x3FB0]  }
0x2e: {  	s3 =	simm.s32 @!p0 $0x1082;
	s9 =	sld [smem:$0x3FB1]  }
0x2f: {  	lr =	sadd.s32 s0, s3;
	s0 =	sld [smem:$0x3FA8]  }
0x30: {  	s3 =	sld [smem:$0x3FAB]  }
0x31: {  	[smem:$0x3FB4] =	sst s10  }
0x32: {  	s10 =	sld [smem:$0x3FB2];
	_ =	sdelay $0x3  }
0x33: {  	p0 =	seq.s32 s10, $0x1;
	s10 =	sld [smem:$0x3FB4];
	_ =	sdelay $0x3  }
0x34: {  	[smem:$0x3FB4] =	sst s10  }
0x35: {  	s10 =	sld [smem:$0x3FB3];
	_ =	sdelay $0x3  }
0x36: {  	p1 =	seq.s32 s10, $0x1;
	s10 =	sld [smem:$0x3FB4];
	_ =	sdelay $0x3  }
0x37: {  	[smem:$0x3FB4] =	sst s10  }
0x38: {  	s10 =	sld [smem:$0x3FB5]  }
0x39: {  	_ = 	snop;
	(pc) =	sbr.ind lr, $3  }
0x3a: {  	_ = 	snop  }
0x3b: {  	_ = 	snop  }
0x3c: {  	p2 =	seq.s32 s10, $0x1;
	s10 =	sld [smem:$0x3FB4]  }
0x3d: {  	_ =	shalt  }
0x3e: {  	_ =	shalt  }
0x3f: {  	_ =	shalt  }
0x40: {  	_ =	shalt  }
0x41: {  	_ =	shalt  }
0x42: {  	_ =	shalt  }
0x43: {  	_ =	shalt  }
0x44: {  	_ =	shalt  }
0x45: {  	_ =	shalt  }
0x46: {  	_ =	shalt  }
0x47: {  	_ =	shalt  }
0x48: {  	_ =	shalt  }
0x49: {  	_ =	shalt  }
0x4a: {  	_ =	shalt  }
0x4b: {  	_ =	shalt  }
0x4c: {  	_ =	shalt  }
0x4d: {  	_ =	shalt  }
0x4e: {  	_ =	shalt  }
0x4f: {  	_ =	shalt  }
0x50: {  	_ =	shalt  }
0x51: {  	_ =	shalt  }
0x52: {  	_ =	shalt  }
0x53: {  	_ =	shalt  }
0x54: {  	_ =	shalt  }
0x55: {  	_ =	shalt  }
0x56: {  	_ =	shalt  }
0x57: {  	_ =	shalt  }
0x58: {  	_ =	shalt  }
0x59: {  	_ =	shalt  }
0x5a: {  	_ =	shalt  }
0x5b: {  	_ =	shalt  }
0x5c: {  	_ =	shalt  }
0x5d: {  	_ =	shalt  }
0x5e: {  	_ =	shalt  }
0x5f: {  	_ =	shalt  }
0x60: {  	_ =	shalt  }
0x61: {  	_ =	shalt  }
0x62: {  	_ =	shalt  }
0x63: {  	_ =	shalt  }
0x64: {  	_ =	shalt  }
0x65: {  	_ =	shalt  }
0x66: {  	_ =	shalt  }
0x67: {  	_ =	shalt  }
0x68: {  	_ =	shalt  }
0x69: {  	_ =	shalt  }
0x6a: {  	_ =	shalt  }
0x6b: {  	_ =	shalt  }
0x6c: {  	_ =	shalt  }
0x6d: {  	_ =	shalt  }
0x6e: {  	_ =	shalt  }
0x6f: {  	_ =	shalt  }
0x70: {  	_ =	shalt  }
0x71: {  	_ =	shalt  }
0x72: {  	_ =	shalt  }
0x73: {  	_ =	shalt  }
0x74: {  	_ =	shalt  }
0x75: {  	_ =	shalt  }
0x76: {  	_ =	shalt  }
0x77: {  	_ =	shalt  }
0x78: {  	_ =	shalt  }
0x79: {  	_ =	shalt  }
0x7a: {  	_ =	shalt  }
0x7b: {  	_ =	shalt  }
0x7c: {  	_ =	shalt  }
0x7d: {  	_ =	shalt  }
0x7e: {  	_ =	shalt  }
0x7f: {  	_ =	shalt  }
0x80: {  	_ =	shalt  }
0x81: {  	_ =	shalt  }
0x82: {  	_ =	shalt  }
0x83: {  	_ =	shalt  }
0x84: {  	_ =	shalt  }
0x85: {  	_ =	shalt  }
0x86: {  	_ =	shalt  }
0x87: {  	_ =	shalt  }
.Lfunc_end0:
.L_simem_size_0:
called_computation.1_lowered:
.L_overlay_start_0:
0x88: {  	s2 =	sld [smem:$0x3FD9]  }
0x89: {  	s3 =	sld [smem:$0x3FFE];
	_ =	sdelay $0x1  }
0x8a: {  	s1 =	srdreg.scid  }
0x8b: {  	s0 =	sand.u32 $0x1, s1  }
0x8c: {  	s14 =	sshll.u32 s0, $0xA;
	s2 =	sadd.s32 s3, s2  }
0x8d: {  	s2 =	sadd.s32 s2, s14  }
0x8e: {  	[smem:$0x3FC0] =	sst s2  }
0x8f: {  	_ = 	snop  }
0x90: {  	s2 =	sld [smem:$0x3FD0];
	_ =	sdelay $0x2  }
0x91: {  	s15 =	simm.s32 $0xA;
	s4 =	simm.s32 $0x10  }
0x92: {  	[smem:s4], [sflag:s15] =	dma.local [hbm:s2], $0x1  }
0x93: {  	_ =	swait.eq [sflag:s15], $0x1  }
0x94: {  	[sflag:s15] =	ssyncset.done $0x0  }
0x95: {  	s16 =	sld [smem:$0x10];
	[sflag:s15] =	ssyncadd.s32 $0xFFFFFFFF  }
0x96: {  	s17 =	sld [smem:$0x11];
	(tm) =	ssettm $0x1  }
0x97: {  	s18 =	sld [smem:$0x3FFB];
	_ =	sdelay $0x3  }
0x98: {  	_ =	strace s18  }
0x99: {  	s4 =	sld [smem:$0x3FFC];
	_ =	sdelay $0x3  }
0x9a: {  	_ =	strace s4  }
0x9b: {  	s4 =	sld [smem:$0x3FFD];
	_ =	sdelay $0x3  }
0x9c: {  	_ =	strace s4  }
0x9d: {  	_ =	strace $0x8FFFFFFF  }
0x9e: {  	s19 =	sld [smem:$0x3FDB];
	_ =	sdelay $0x1  }
0x9f: {  	s5 =	simm.s32 $_scs_section_size  }
0xa0: {  	s6 =	simm.s32 $_size__tile_overlayer_lowered;
	s7 =	simm.s32 $_tile_overlayer_lowered  }
0xa1: {  	s22 =	simm.s32 $0x1BFF;
	s21 =	sshll.u32 s7, $0x1;
	s4 =	sadd.s32 s5, s19  }
0xa2: {  	s8 =	simm.s32 $0x0;
	s20 =	sshll.u32 s6, $0x1;
	s6 =	sadd.s32 s21, s4  }
0xa3: {  	[timem:s8], [sflag:s22] =	dma.local [hbm:s6], s20  }
0xa4: {  	_ =	swait.ge [sflag:s22], s20  }
0xa5: {  	s5 =	ssub.s32 $0x0, s20;
	[sflag:s22] =	ssyncset.done $0x0  }
0xa6: {  	[sflag:s22] =	ssyncadd.s32 s5;
	_ =	sdelay $0x1  }
0xa7: {  	s23 =	simm.s32 $0x1B8B  }
0xa8: {  	_ =	swait.ge [sflag:s23], $0x1  }
0xa9: {  	[sflag:s23] =	ssyncset.done $0x0  }
0xaa: {  	s25 =	simm.s32 $0x1B8E;
	s24 =	sld [smem:$0x3FFE];
	[sflag:s23] =	ssyncadd.s32 $0xFFFFFFFF  }
0xab: {  	s26 =	simm.s32 $execute0_lowered;
	[smem:$0x3FD2] =	sst s25  }
0xac: {  	s6 =	sshll.u32 s26, $0x1;
	_ =	strace $0x80000049;
	[dreg:$0x1] =	wrdreg $0xFFFFFFFF  }
0xad: {  	s28 =	simm.s32 $_size_execute0_lowered;
	s4 =	sadd.s32 s4, s6;
	[dreg:$0x0] =	wrdreg $0x0  }
0xae: {  	s6 =	sshll.u32 s28, $0x1;
	[dreg:$0x2] =	wrdreg s4  }
0xaf: {  	[dreg:$0x3] =	wrdreg s6  }
0xb0: {  	[dreg:$0x4] =	wrdreg $0xC0  }
0xb1: {  	_ =	task [dreg:s8], $0x5FFFF  }
0xb2: {  	[dreg:$0x1] =	wrdreg $0xFFFFFFFF  }
0xb3: {  	[dreg:$0x0] =	wrdreg $0x60  }
0xb4: {  	[dreg:$0x2] =	wrdreg s17  }
0xb5: {  	[dreg:$0x3] =	wrdreg s16  }
0xb6: {  	[dreg:$0x4] =	wrdreg s24  }
0xb7: {  	[dreg:$0x5] =	wrdreg $0x10000  }
0xb8: {  	[dreg:$0x6] =	wrdreg $0x28800  }
0xb9: {  	[dreg:$0x7] =	wrdreg $0x9  }
0xba: {  	_ =	task.clear_ibuf [dreg:s8], $0x8FFFF;
	_ =	strace $0x90000049  }
0xbb: {  	s29 =	simm.s32 $0x9;
	_ =	strace $0x8000004B  }
0xbc: {  	_ =	swait.ge [sflag:s29], $0x1  }
0xbd: {  	[sflag:s29] =	ssyncadd.s32 $0xFFFFFFFF  }
0xbe: {  	_ =	strace $0x9000004B  }
0xbf: {  	_ =	sfence  }
0xc0: {  	s30 =	sld [smem:$0x0];
	_ =	sdelay $0x2  }
0xc1: {  	s31 =	sshll.u32 s1, $0xD;
	s1 =	sshrl.u32 s1, $0x2  }
0xc2: {  	s3 =	sand.u32 $0x4000, s31;
	s1 =	sadd.s32 s1, s30  }
0xc3: {  	s0 =	sor.u32 s3, s0;
	s1 =	sshll.u32 s1, $0x11  }
0xc4: {  	s0 =	sor.u32 s1, s0  }
0xc5: {  	s0 =	sadd.s32 $0x8F2B, s0  }
0xc6: {  	[sflag:s0] =	ssyncadd.remote.s32 $0x1  }
0xc7: {  	_ =	sfence.sel $0xFFFF  }
0xc8: {  	[dreg:$0x0] =	wrdreg $0xFFFFFFFF;
	(pc) =	sbr.abs _section_cstart, $3  }
0xc9: {  	[dreg:$0x1] =	wrdreg $0xFFFFFFFF  }
0xca: {  	_ =	task.clear_ibuf [dreg:s8], $0x2FFFF;
	_ =	strace $0x9FFFFFFF  }
0xcb: {  	(tm) =	ssettm $0x7FFFFFFF  }
tec
execute0_lowered:
.L_overlay_start_1:
0x0: {  	(tag) =	ssettag $0x1  }
0x1: {  	s0 =	rddreg [dreg:$0x0]  }
0x2: {  	s1 =	rddreg [dreg:$0x1]  }
0x3: {  	s7 =	rddreg [dreg:$0x2]  }
0x4: {  	s2 =	rddreg [dreg:$0x3]  }
0x5: {  	s3 =	rddreg [dreg:$0x4];
	s15 =	stileid.u32  }
0x6: {  	s5 =	srdreg.scid;
	s4 =	simm.s32 $0x0;
	s17 =	simm.s32 $0x5  }
0x7: {  	s28 =	simm.s32 $0x3;
	s29 =	simm.s32 $0x2;
	s30 =	simm.s32 $0x4  }
0x8: {  	s31 =	simm.s32 $0x0;
	s9 =	smul.u32 $0x1880, s15;
	s10 =	sand.u32 $0x1, s5  }
0x9: {  	[smem:$0x7FF] =	sst s4;
	s5 =	sadd.s32 $0x7A00, s7;
	s6 =	sadd.s32 $0x4800, s7  }
0xa: {  	s20 =	sshll.u32 s15, $0x6;
	s8 =	smul.u32 $0x31000, s10;
	_ =	strace $0x8000004A  }
0xb: {  	s12 =	ssub.s32 $0x2, s10;
	s19 =	sshll.u32 s10, $0x4;
	s22 =	smul.u32 $0x18800, s10  }
0xc: {  	s11 =	sshrl.u32 s9, $0x3;
	s18 =	sshrl.u32 s12, $0x1;
	s16 =	sadd.s32 s9, s2  }
0xd: {  	s8 =	sadd.s32 s9, s8;
	s11 =	sadd.s32 s11, s7;
	s14 =	ssub.s32 s12, s18  }
0xe: {  	s18 =	sadd.s32 s9, s3;
	s16 =	sshrl.u32 s16, $0x3;
	s8 =	sshrl.u32 s8, $0x3  }
0xf: {  	s18 =	sshrl.u32 s18, $0x3;
	s13 =	sadd.s32 s8, s7;
	s8 =	sor.u32 s15, s19  }
0x10: {  	s7 =	sadd.s32 $0x1600, s11;
	s19 =	simm.s32 $0x200;
	s21 =	smul.u32 $0x1880, s8  }
0x11: {  	s8 =	sor.u32 $0x1C05, s20;
	s25 =	sadd.s32 $0xAC00, s13;
	s26 =	sadd.s32 $0xDD00, s13  }
0x12: {  	s13 =	smax.u32 s14, $0x1;
	s20 =	simm.s32 $0x800;
	[dreg:$0x8] =	wrdreg s25  }
0x13: {  	[dreg:$0x9] =	wrdreg s26;
	s25 =	simm.s32 $0xE00;
	s26 =	simm.s32 $0x1  }
0x14: {  	s23 =	sadd.s32 s0, s21;
	s24 =	sadd.s32 s1, s21;
	s0 =	sadd.s32 s22, s0  }
0x15: {  	s1 =	sadd.s32 s22, s1;
	s21 =	simm.s32 $0xA00;
	[dreg:$0x6] =	wrdreg s23  }
0x16: {  	s22 =	simm.s32 $0x400;
	[dreg:$0x7] =	wrdreg s24;
	s14 =	sadd.s32 s9, s0  }
0x17: {  	s15 =	sadd.s32 s9, s1;
	s23 =	simm.s32 $0x600;
	s24 =	simm.s32 $0xC00  }
.LBB2_1:
0x18: {  	[spmem:s16], [sflag:s8] =	dma.local [hbm:s7], $0x310  }
0x19: {  	_ =	swait.ge [sflag:s17], $0x310  }
0x1a: {  	[sflag:s17] =	ssyncset.done $0x0  }
0x1b: {  	[sflag:s17] =	ssyncadd.s32 $0xFFFFFCF0  }
0x1c: {  	[spmem:s18], [sflag:s8] =	dma.local [hbm:s7], $0x310  }
0x1d: {  	_ =	swait.ge [sflag:s17], $0x310  }
0x1e: {  	[sflag:s17] =	ssyncset.done $0x0  }
0x1f: {  	[sflag:s17] =	ssyncadd.s32 $0xFFFFFCF0  }
0x20: {  	[bflag:$0x0] =	sbarrier.arrive $0xFFFF  }
0x21: {  	s0 =	rddreg [dreg:$0x6]  }
0x22: {  	[tilespmem:s4], [sflag:$0x5] =	stream.linear.gather [hbm4b:s0+s4], $0x200, $0x38;
	[tilespmem:$0x4100] =	vst v63  }
0x23: {  	_ =	swait.ge [sflag:s17], $0x200  }
0x24: {  	[sflag:s17] =	ssyncset.done $0x0  }
0x25: {  	s10 =	rddreg [dreg:$0x7];
	[sflag:s17] =	ssyncadd.s32 $0xFFFFFE00  }
0x26: {  	[tilespmem:s19], [sflag:$0x5] =	stream.linear.gather [hbm4b:s10+s4], $0x200, $0x38;
	[tilespmem:$0x4100] =	vst v63  }
0x27: {  	_ =	swait.ge [sflag:s17], $0x200  }
0x28: {  	[sflag:s17] =	ssyncset.done $0x0  }
0x29: {  	[sflag:s17] =	ssyncadd.s32 $0xFFFFFE00  }
0x2a: {  	[tilespmem:s20], [sflag:$0x1] =	stream.indirect.gather [hbm4b:s5+s19], $0x1, s4, s19, $0xb8;
	[tilespmem:$0x4100] =	vst v63  }
0x2b: {  	s11 =	sadd.s32 $0x0, s14  }
0x2c: {  	[tilespmem:s21], [sflag:$0x1] =	stream.indirect.gather [hbm4b:s6+s19], $0x1, s4, s19, $0xb8;
	[tilespmem:$0x4100] =	vst v63  }
0x2d: {  	s0 =	sadd.s32 $0x40, s11  }
0x2e: {  	[tilespmem:s22], [sflag:$0x5] =	stream.linear.gather [hbm4b:s0+s4], $0x200, $0x38;
	[tilespmem:$0x4100] =	vst v63  }
0x2f: {  	_ =	swait.ge [sflag:s17], $0x200  }
0x30: {  	s12 =	sadd.s32 $0x0, s15;
	[sflag:s17] =	ssyncset.done $0x0  }
0x31: {  	s0 =	sadd.s32 $0x40, s12;
	[sflag:s17] =	ssyncadd.s32 $0xFFFFFE00  }
0x32: {  	[tilespmem:s23], [sflag:$0x5] =	stream.linear.gather [hbm4b:s0+s4], $0x200, $0x38;
	[tilespmem:$0x4100] =	vst v63  }
0x33: {  	_ =	swait.ge [sflag:s17], $0x200  }
0x34: {  	[sflag:s17] =	ssyncset.done $0x0  }
0x35: {  	[sflag:s17] =	ssyncadd.s32 $0xFFFFFE00  }
0x36: {  	[tilespmem:s24], [sflag:$0x2] =	stream.indirect.gather [hbm4b:s5+s19], $0x1, s22, s19, $0xb8;
	[tilespmem:$0x4100] =	vst v63  }
0x37: {  	_ = 	snop  }
0x38: {  	[tilespmem:s25], [sflag:$0x2] =	stream.indirect.gather [hbm4b:s6+s19], $0x1, s22, s19, $0xb8;
	[tilespmem:$0x4100] =	vst v63  }
0x39: {  	_ =	swait.ge [sflag:s26], $0x200  }
0x3a: {  	[sflag:s26] =	ssyncset.done $0x0  }
0x3b: {  	[sflag:s26] =	ssyncadd.s32 $0xFFFFFE00  }
0x3c: {  	_ =	swait.ge [sflag:s26], $0x200  }
0x3d: {  	[sflag:s26] =	ssyncset.done $0x0  }
0x3e: {  	[sflag:s26] =	ssyncadd.s32 $0xFFFFFE00  }
0x3f: {  	[spmem:s2] =	stream.indirect.scatter.add.f32 [tilespmem:s20], [sflag:$0x3], $0x1, s19, s19, $0xb8;
	[tilespmem:$0x4100] =	vst v63  }
0x40: {  	_ = 	snop  }
0x41: {  	[spmem:s3] =	stream.indirect.scatter.add.f32 [tilespmem:s21], [sflag:$0x3], $0x1, s19, s19, $0xb8;
	[tilespmem:$0x4100] =	vst v63  }
0x42: {  	_ =	swait.ge [sflag:s28], $0x200  }
0x43: {  	[sflag:s28] =	ssyncset.done $0x0  }
0x44: {  	[sflag:s28] =	ssyncadd.s32 $0xFFFFFE00  }
0x45: {  	p0 =	por $0x0, $0x0;
	_ =	swait.ge [sflag:s28], $0x200  }
0x46: {  	s1 =	simm.s32 @!p0 $0x5;
	s0 =	sadd.s32 @!p0 $0x0, s14;
	[sflag:s28] =	ssyncset.done $0x0  }
0x47: {  	s9 =	simm.s32 @!p0 $0x0;
	s0 =	sadd.s32 @!p0 $0x80, s0;
	[sflag:s28] =	ssyncadd.s32 $0xFFFFFE00  }
0x48: {  	[tilespmem:s9], [sflag:$0x5] =	stream.linear.gather @!p0 [hbm4b:s0+s9], $0x200, $0x38;
	[tilespmem:$0x4100] =	vst v63  }
0x49: {  	_ =	swait.ge @!p0 [sflag:s1], $0x200  }
0x4a: {  	s0 =	sadd.s32 @!p0 $0x0, s15;
	[sflag:s1] =	ssyncset.done @!p0 $0x0  }
0x4b: {  	s10 =	simm.s32 @!p0 $0x200;
	s0 =	sadd.s32 @!p0 $0x80, s0;
	[sflag:s1] =	ssyncadd.s32 @!p0 $0xFFFFFE00  }
0x4c: {  	[tilespmem:s10], [sflag:$0x5] =	stream.linear.gather @!p0 [hbm4b:s0+s9], $0x200, $0x38;
	[tilespmem:$0x4100] =	vst v63  }
0x4d: {  	_ =	swait.ge @!p0 [sflag:s1], $0x200  }
0x4e: {  	[sflag:s1] =	ssyncset.done @!p0 $0x0  }
0x4f: {  	s0 =	simm.s32 @!p0 $0x800;
	[sflag:s1] =	ssyncadd.s32 @!p0 $0xFFFFFE00  }
0x50: {  	[tilespmem:s0], [sflag:$0x1] =	stream.indirect.gather @!p0 [hbm4b:s5+s10], $0x1, s9, s10, $0xb8;
	[tilespmem:$0x4100] =	vst v63  }
0x51: {  	s0 =	simm.s32 @!p0 $0xA00  }
0x52: {  	[tilespmem:s0], [sflag:$0x1] =	stream.indirect.gather @!p0 [hbm4b:s6+s10], $0x1, s9, s10, $0xb8;
	[tilespmem:$0x4100] =	vst v63  }
0x53: {  	_ =	swait.ge [sflag:s29], $0x200  }
0x54: {  	[sflag:s29] =	ssyncset.done $0x0  }
0x55: {  	[sflag:s29] =	ssyncadd.s32 $0xFFFFFE00  }
0x56: {  	_ =	swait.ge [sflag:s29], $0x200  }
0x57: {  	[sflag:s29] =	ssyncset.done $0x0  }
0x58: {  	[sflag:s29] =	ssyncadd.s32 $0xFFFFFE00  }
0x59: {  	[spmem:s2] =	stream.indirect.scatter.add.f32 [tilespmem:s24], [sflag:$0x4], $0x1, s23, s19, $0xb8;
	[tilespmem:$0x4100] =	vst v63  }
0x5a: {  	_ = 	snop  }
0x5b: {  	[spmem:s3] =	stream.indirect.scatter.add.f32 [tilespmem:s25], [sflag:$0x4], $0x1, s23, s19, $0xb8;
	[tilespmem:$0x4100] =	vst v63  }
0x5c: {  	_ =	swait.ge [sflag:s30], $0x200  }
0x5d: {  	[sflag:s30] =	ssyncset.done $0x0  }
0x5e: {  	[sflag:s30] =	ssyncadd.s32 $0xFFFFFE00  }
0x5f: {  	s1 =	simm.s32 $0x100;
	_ =	swait.ge [sflag:s30], $0x200  }
0x60: {  	s0 =	simm.s32 $0x80;
	s9 =	sadd.s32 $0x80, s14;
	[sflag:s30] =	ssyncset.done $0x0  }
.LBB2_2:
0x61: {  	s10 =	sadd.s32 $0x40, s9  }
0x62: {  	[sflag:s30] =	ssyncadd.s32 $0xFFFFFE00;
	s9 =	smov.u32 s1;
	s1 =	sadd.s32 $0x80, s1  }
0x63: {  	[tilespmem:s22], [sflag:$0x5] =	stream.linear.gather [hbm4b:s10+s4], $0x200, $0x38;
	[tilespmem:$0x4100] =	vst v63  }
0x64: {  	p0 =	sne.s32 s1, $0x1880;
	_ =	swait.ge [sflag:s17], $0x200  }
0x65: {  	s10 =	sadd.s32 s0, s15;
	[sflag:s17] =	ssyncset.done $0x0  }
0x66: {  	s10 =	sadd.s32 $0x40, s10;
	[sflag:s17] =	ssyncadd.s32 $0xFFFFFE00  }
0x67: {  	[tilespmem:s23], [sflag:$0x5] =	stream.linear.gather [hbm4b:s10+s4], $0x200, $0x38;
	[tilespmem:$0x4100] =	vst v63  }
0x68: {  	_ =	swait.ge [sflag:s17], $0x200  }
0x69: {  	[sflag:s17] =	ssyncset.done $0x0  }
0x6a: {  	[sflag:s17] =	ssyncadd.s32 $0xFFFFFE00  }
0x6b: {  	[tilespmem:s24], [sflag:$0x2] =	stream.indirect.gather [hbm4b:s5+s19], $0x1, s22, s19, $0xb8;
	[tilespmem:$0x4100] =	vst v63  }
0x6c: {  	_ = 	snop  }
0x6d: {  	[tilespmem:s25], [sflag:$0x2] =	stream.indirect.gather [hbm4b:s6+s19], $0x1, s22, s19, $0xb8;
	[tilespmem:$0x4100] =	vst v63  }
0x6e: {  	_ =	swait.ge [sflag:s26], $0x200  }
0x6f: {  	[sflag:s26] =	ssyncset.done $0x0  }
0x70: {  	[sflag:s26] =	ssyncadd.s32 $0xFFFFFE00  }
0x71: {  	_ =	swait.ge [sflag:s26], $0x200  }
0x72: {  	[sflag:s26] =	ssyncset.done $0x0  }
0x73: {  	[sflag:s26] =	ssyncadd.s32 $0xFFFFFE00  }
0x74: {  	[spmem:s2] =	stream.indirect.scatter.add.f32 [tilespmem:s20], [sflag:$0x3], $0x1, s19, s19, $0xb8;
	[tilespmem:$0x4100] =	vst v63  }
0x75: {  	_ = 	snop  }
0x76: {  	[spmem:s3] =	stream.indirect.scatter.add.f32 [tilespmem:s21], [sflag:$0x3], $0x1, s19, s19, $0xb8;
	[tilespmem:$0x4100] =	vst v63  }
0x77: {  	_ =	swait.ge [sflag:s28], $0x200  }
0x78: {  	[sflag:s28] =	ssyncset.done $0x0  }
0x79: {  	[sflag:s28] =	ssyncadd.s32 $0xFFFFFE00  }
0x7a: {  	p1 =	seq.s32 s0, $0x1800;
	_ =	swait.ge [sflag:s28], $0x200  }
0x7b: {  	s11 =	simm.s32 @!p1 $0x5;
	s10 =	sadd.s32 @!p1 s0, s14;
	[sflag:s28] =	ssyncset.done $0x0  }
0x7c: {  	s12 =	simm.s32 @!p1 $0x0;
	s10 =	sadd.s32 @!p1 $0x80, s10;
	[sflag:s28] =	ssyncadd.s32 $0xFFFFFE00  }
0x7d: {  	[tilespmem:s12], [sflag:$0x5] =	stream.linear.gather @!p1 [hbm4b:s10+s12], $0x200, $0x38;
	[tilespmem:$0x4100] =	vst v63  }
0x7e: {  	s10 =	sadd.s32 @!p1 s0, s15;
	s0 =	smov.u32 s9;
	_ =	swait.ge @!p1 [sflag:s11], $0x200  }
0x7f: {  	s9 =	sadd.s32 @!p1 $0x80, s10;
	[sflag:s11] =	ssyncset.done @!p1 $0x0  }
0x80: {  	s10 =	simm.s32 @!p1 $0x200;
	[sflag:s11] =	ssyncadd.s32 @!p1 $0xFFFFFE00  }
0x81: {  	[tilespmem:s10], [sflag:$0x5] =	stream.linear.gather @!p1 [hbm4b:s9+s12], $0x200, $0x38;
	[tilespmem:$0x4100] =	vst v63  }
0x82: {  	_ =	swait.ge @!p1 [sflag:s11], $0x200  }
0x83: {  	[sflag:s11] =	ssyncset.done @!p1 $0x0  }
0x84: {  	s9 =	simm.s32 @!p1 $0x800;
	[sflag:s11] =	ssyncadd.s32 @!p1 $0xFFFFFE00  }
0x85: {  	[tilespmem:s9], [sflag:$0x1] =	stream.indirect.gather @!p1 [hbm4b:s5+s10], $0x1, s12, s10, $0xb8;
	[tilespmem:$0x4100] =	vst v63  }
0x86: {  	s9 =	simm.s32 @!p1 $0xA00  }
0x87: {  	[tilespmem:s9], [sflag:$0x1] =	stream.indirect.gather @!p1 [hbm4b:s6+s10], $0x1, s12, s10, $0xb8;
	[tilespmem:$0x4100] =	vst v63  }
0x88: {  	_ =	swait.ge [sflag:s29], $0x200  }
0x89: {  	[sflag:s29] =	ssyncset.done $0x0  }
0x8a: {  	[sflag:s29] =	ssyncadd.s32 $0xFFFFFE00  }
0x8b: {  	_ =	swait.ge [sflag:s29], $0x200  }
0x8c: {  	[sflag:s29] =	ssyncset.done $0x0  }
0x8d: {  	[sflag:s29] =	ssyncadd.s32 $0xFFFFFE00  }
0x8e: {  	[spmem:s2] =	stream.indirect.scatter.add.f32 [tilespmem:s24], [sflag:$0x4], $0x1, s23, s19, $0xb8;
	[tilespmem:$0x4100] =	vst v63  }
0x8f: {  	_ = 	snop  }
0x90: {  	[spmem:s3] =	stream.indirect.scatter.add.f32 [tilespmem:s25], [sflag:$0x4], $0x1, s23, s19, $0xb8;
	[tilespmem:$0x4100] =	vst v63  }
.Ltmp0:
0x91: {  	_ =	swait.ge [sflag:s30], $0x200;
	(pc) =	sbr.rel @p0 .LBB2_2-.Ltmp0, $4  }
0x92: {  	[sflag:s30] =	ssyncset.done $0x0  }
0x93: {  	[sflag:s30] =	ssyncadd.s32 $0xFFFFFE00  }
0x94: {  	_ =	swait.ge [sflag:s30], $0x200  }
0x95: {  	s9 =	sadd.s32 s0, s14;
	[sflag:s30] =	ssyncset.done $0x0  }
0x96: {  	s1 =	sadd.s32 $0x40, s9;
	[sflag:s30] =	ssyncadd.s32 $0xFFFFFE00  }
0x97: {  	[tilespmem:s22], [sflag:$0x5] =	stream.linear.gather [hbm4b:s1+s4], $0x200, $0x38;
	[tilespmem:$0x4100] =	vst v63  }
0x98: {  	_ =	swait.ge [sflag:s17], $0x200  }
0x99: {  	s10 =	sadd.s32 s0, s15;
	[sflag:s17] =	ssyncset.done $0x0  }
0x9a: {  	s1 =	sadd.s32 $0x40, s10;
	[sflag:s17] =	ssyncadd.s32 $0xFFFFFE00  }
0x9b: {  	[tilespmem:s23], [sflag:$0x5] =	stream.linear.gather [hbm4b:s1+s4], $0x200, $0x38;
	[tilespmem:$0x4100] =	vst v63  }
0x9c: {  	_ =	swait.ge [sflag:s17], $0x200  }
0x9d: {  	[sflag:s17] =	ssyncset.done $0x0  }
0x9e: {  	[sflag:s17] =	ssyncadd.s32 $0xFFFFFE00  }
0x9f: {  	[tilespmem:s24], [sflag:$0x2] =	stream.indirect.gather [hbm4b:s5+s19], $0x1, s22, s19, $0xb8;
	[tilespmem:$0x4100] =	vst v63  }
0xa0: {  	_ = 	snop  }
0xa1: {  	[tilespmem:s25], [sflag:$0x2] =	stream.indirect.gather [hbm4b:s6+s19], $0x1, s22, s19, $0xb8;
	[tilespmem:$0x4100] =	vst v63  }
0xa2: {  	_ =	swait.ge [sflag:s26], $0x200  }
0xa3: {  	[sflag:s26] =	ssyncset.done $0x0  }
0xa4: {  	[sflag:s26] =	ssyncadd.s32 $0xFFFFFE00  }
0xa5: {  	_ =	swait.ge [sflag:s26], $0x200  }
0xa6: {  	[sflag:s26] =	ssyncset.done $0x0  }
0xa7: {  	[sflag:s26] =	ssyncadd.s32 $0xFFFFFE00  }
0xa8: {  	[spmem:s2] =	stream.indirect.scatter.add.f32 [tilespmem:s20], [sflag:$0x3], $0x1, s19, s19, $0xb8;
	[tilespmem:$0x4100] =	vst v63  }
0xa9: {  	_ = 	snop  }
0xaa: {  	[spmem:s3] =	stream.indirect.scatter.add.f32 [tilespmem:s21], [sflag:$0x3], $0x1, s19, s19, $0xb8;
	[tilespmem:$0x4100] =	vst v63  }
0xab: {  	_ =	swait.ge [sflag:s28], $0x200  }
0xac: {  	[sflag:s28] =	ssyncset.done $0x0  }
0xad: {  	[sflag:s28] =	ssyncadd.s32 $0xFFFFFE00  }
0xae: {  	p0 =	seq.s32 s0, $0x1800;
	_ =	swait.ge [sflag:s28], $0x200  }
0xaf: {  	s9 =	simm.s32 @!p0 $0x5;
	s1 =	sadd.s32 @!p0 s0, s14;
	[sflag:s28] =	ssyncset.done $0x0  }
0xb0: {  	s10 =	simm.s32 @!p0 $0x0;
	s1 =	sadd.s32 @!p0 $0x80, s1;
	[sflag:s28] =	ssyncadd.s32 $0xFFFFFE00  }
0xb1: {  	[tilespmem:s10], [sflag:$0x5] =	stream.linear.gather @!p0 [hbm4b:s1+s10], $0x200, $0x38;
	[tilespmem:$0x4100] =	vst v63  }
0xb2: {  	_ =	swait.ge @!p0 [sflag:s9], $0x200  }
0xb3: {  	s0 =	sadd.s32 @!p0 s0, s15;
	[sflag:s9] =	ssyncset.done @!p0 $0x0  }
0xb4: {  	s0 =	sadd.s32 @!p0 $0x80, s0;
	s1 =	simm.s32 @!p0 $0x200;
	[sflag:s9] =	ssyncadd.s32 @!p0 $0xFFFFFE00  }
0xb5: {  	[tilespmem:s1], [sflag:$0x5] =	stream.linear.gather @!p0 [hbm4b:s0+s10], $0x200, $0x38;
	[tilespmem:$0x4100] =	vst v63  }
0xb6: {  	_ =	swait.ge @!p0 [sflag:s9], $0x200  }
0xb7: {  	[sflag:s9] =	ssyncset.done @!p0 $0x0  }
0xb8: {  	s0 =	simm.s32 @!p0 $0x800;
	[sflag:s9] =	ssyncadd.s32 @!p0 $0xFFFFFE00  }
0xb9: {  	[tilespmem:s0], [sflag:$0x1] =	stream.indirect.gather @!p0 [hbm4b:s5+s1], $0x1, s10, s1, $0xb8;
	[tilespmem:$0x4100] =	vst v63  }
0xba: {  	s0 =	simm.s32 @!p0 $0xA00  }
0xbb: {  	[tilespmem:s0], [sflag:$0x1] =	stream.indirect.gather @!p0 [hbm4b:s6+s1], $0x1, s10, s1, $0xb8;
	[tilespmem:$0x4100] =	vst v63  }
0xbc: {  	_ =	swait.ge [sflag:s29], $0x200  }
0xbd: {  	[sflag:s29] =	ssyncset.done $0x0  }
0xbe: {  	[sflag:s29] =	ssyncadd.s32 $0xFFFFFE00  }
0xbf: {  	_ =	swait.ge [sflag:s29], $0x200  }
0xc0: {  	[sflag:s29] =	ssyncset.done $0x0  }
0xc1: {  	[sflag:s29] =	ssyncadd.s32 $0xFFFFFE00  }
0xc2: {  	[spmem:s2] =	stream.indirect.scatter.add.f32 [tilespmem:s24], [sflag:$0x4], $0x1, s23, s19, $0xb8;
	[tilespmem:$0x4100] =	vst v63  }
0xc3: {  	_ = 	snop  }
0xc4: {  	[spmem:s3] =	stream.indirect.scatter.add.f32 [tilespmem:s25], [sflag:$0x4], $0x1, s23, s19, $0xb8;
	[tilespmem:$0x4100] =	vst v63  }
0xc5: {  	_ =	swait.ge [sflag:s30], $0x200  }
0xc6: {  	[sflag:s30] =	ssyncset.done $0x0  }
0xc7: {  	[sflag:s30] =	ssyncadd.s32 $0xFFFFFE00  }
0xc8: {  	_ =	swait.ge [sflag:s30], $0x200  }
0xc9: {  	[sflag:s30] =	ssyncset.done $0x0  }
0xca: {  	[sflag:s30] =	ssyncadd.s32 $0xFFFFFE00  }
0xcb: {  	[bflag:$0x0] =	sbarrier.arrive $0xFFFF  }
0xcc: {  	s11 =	rddreg [dreg:$0x8]  }
0xcd: {  	[hbm:s11], [sflag:s8] =	dma.local [spmem:s16], $0x310  }
0xce: {  	s31 =	sadd.s32 $0x1, s31;
	_ =	swait.ge [sflag:s17], $0x310  }
0xcf: {  	p0 =	sne.s32 s31, s13;
	[sflag:s17] =	ssyncset.done $0x0  }
.Ltmp1:
0xd0: {  	s12 =	rddreg [dreg:$0x9];
	[sflag:s17] =	ssyncadd.s32 $0xFFFFFCF0;
	(pc) =	sbr.rel @p0 .LBB2_1-.Ltmp1, $4  }
0xd1: {  	[hbm:s12], [sflag:s8] =	dma.local [spmem:s18], $0x310  }
0xd2: {  	_ =	swait.ge [sflag:s17], $0x310  }
0xd3: {  	[sflag:s17] =	ssyncset.done $0x0  }
0xd4: {  	[sflag:s17] =	ssyncadd.s32 $0xFFFFFCF0  }
0xd5: {  	_ =	sfence.sel $0x180000  }
0xd6: {  	[bflag:$0x0] =	sbarrier.arrive $0xFFFF  }
0xd7: {  	_ =	strace $0x9000004A  }
0xd8: {  	s0 =	stileid.u32;
	[bflag:$0x2] =	sbarrier.arrive $0xFFFF  }
0xd9: {  	p0 =	sne.s32 s0, $0x0;
	s0 =	rddreg [dreg:$0x5]  }
0xda: {  	s0 =	sadd.s32 @!p0 $0x100000, s0  }
0xdb: {  	[sflag:s0] =	ssyncadd.tile.s32 @!p0 $0x1;
	_ =	shalt  }
.Lfunc_end2:
_tile_overlayer_lowered:
.L_overlay_start_2:
0xdc: {  	(tag) =	ssettag $0x2  }
0xdd: {  	s0 =	rddreg [dreg:$0x0];
	s2 =	stileid.u32  }
0xde: {  	s1 =	rddreg [dreg:$0x1];
	p0 =	sne.s32 s2, $0x0  }
0xdf: {  	s3 =	rddreg [dreg:$0x2];
	[bflag:$0x3] =	sbarrier.arrive $0xFFFF;
	s2 =	simm.s32 @!p0 $0x1C05  }
0xe0: {  	[timem:s3], [sflag:s2] =	dma.local @!p0 [hbm:s0], s1  }
0xe1: {  	s0 =	simm.s32 @!p0 $0x5  }
0xe2: {  	_ =	swait.ge @!p0 [sflag:s0], s1  }
0xe3: {  	s1 =	ssub.s32 @!p0 $0x0, s1;
	[sflag:s0] =	ssyncset.done @!p0 $0x0  }
0xe4: {  	[sflag:s0] =	ssyncadd.s32 @!p0 s1  }
0xe5: {  	[bflag:$0x3] =	sbarrier.arrive $0xFFFF  }
0xe6: {  	_ =	shalt  }

// kernel: kernel.7.cloned.1.call-start
scs
__scs_entry_jumppad:
0x0: {  	(pc) =	sbr.rel $0x88, $3  }
0x1: {  	(tag) =	ssettag $0x0;
	lr =	simm.s32 $0x1  }
0x2: {  	[smem:$0x3F99] =	sst lr;
	_ =	strace $0xD0000000  }
0x3: {  	_ = 	snop  }
0x4: {  	_ = 	snop  }
0x5: {  	_ = 	snop  }
0x6: {  	_ = 	snop  }
0x7: {  	_ = 	snop  }
__scs_overlays_trampoline_lowered:
0x8: {  	[smem:$0x3FA8] =	sst s0  }
0x9: {  	[smem:$0x3FA9] =	sst s1  }
0xa: {  	[smem:$0x3FAA] =	sst s2  }
0xb: {  	[smem:$0x3FAB] =	sst s3  }
0xc: {  	[smem:$0x3FAC] =	sst s4  }
0xd: {  	[smem:$0x3FAD] =	sst s5  }
0xe: {  	[smem:$0x3FAE] =	sst s6  }
0xf: {  	[smem:$0x3FAF] =	sst s7  }
0x10: {  	[smem:$0x3FB0] =	sst s8  }
0x11: {  	[smem:$0x3FB1] =	sst s9;
	s0 =	simm.s32 @!p0 $0x0  }
0x12: {  	s1 =	sld [smem:$0x3F97];
	s0 =	simm.s32 @p0 $0x1  }
0x13: {  	[smem:$0x3FB2] =	sst s0;
	s0 =	simm.s32 @!p1 $0x0  }
0x14: {  	s2 =	sld [smem:$0x3F96];
	s0 =	simm.s32 @p1 $0x1  }
0x15: {  	[smem:$0x3FB3] =	sst s0;
	s0 =	simm.s32 @!p2 $0x0  }
0x16: {  	s3 =	sld [smem:$0x3FDB];
	s0 =	simm.s32 @p2 $0x1  }
0x17: {  	s4 =	simm.s32 $0x1BF5;
	[smem:$0x3FB5] =	sst s0  }
0x18: {  	s0 =	sld [smem:$0x3F98];
	_ =	swait.ge [sflag:s4], $0x0  }
0x19: {  	s7 =	sld [smem:$0x3F99]  }
0x1a: {  	s8 =	sadd.s32 $0xFFFFE003, lr  }
0x1b: {  	s9 =	sadd.s32 $0xFFFFFEF7, lr;
	s5 =	simm.s32 $0xFFFFFFFF;
	p2 =	slt.u32 s8, $0xFFFFF086  }
0x1c: {  	p1 =	slt.u32 s9, $0xF7A;
	s5 =	simm.s32 @!p2 $0x0  }
0x1d: {  	s5 =	simm.s32 @p1 $0x1;
	p0 =	seq.s32 s7, s2  }
0x1e: {  	s7 =	smul.u32 @!p0 $0xF7A, s2;
	p2 =	seq.s32 @!p0 s5, $0x0  }
0x1f: {  	s9 =	smul.u32 $0xF7A, s1;
	s8 =	simm.s32 @!p0 $0x1BF5;
	p2 =	por !p2, p0  }
0x20: {  	[sflag:s8] =	ssyncset.s32 @!p0 $0xFFFFF086;
	s6 =	sadd.s32 @!p0 s3, s7;
	s7 =	simm.s32 @!p0 $0x108  }
0x21: {  	s3 =	sadd.s32 s3, s9;
	s6 =	sadd.s32 @!p0 $0x88, s6;
	s7 =	simm.s32 @p2 $0x1082  }
0x22: {  	[simem:s7], [sflag:s8] =	dma.local @!p0 [hbm:s6], $0xF7A  }
0x23: {  	s9 =	sor.u32 $0xD0000000, s2;
	s6 =	simm.s32 $0x108;
	_ =	swait.ge @!p0 [sflag:s8], $0x0  }
0x24: {  	s3 =	sadd.s32 $0x88, s3;
	s6 =	simm.s32 @!p1 $0x1082;
	[sflag:s4] =	ssyncset.s32 $0xFFFFF086  }
0x25: {  	[simem:s6], [sflag:s4] =	dma.local [hbm:s3], $0xF7A  }
0x26: {  	[smem:$0x3F99] =	sst s1;
	(tag) =	ssettag s2;
	_ =	strace s9  }
0x27: {  	s1 =	sld [smem:$0x3FA9]  }
0x28: {  	s2 =	sld [smem:$0x3FAA]  }
0x29: {  	s4 =	sld [smem:$0x3FAC]  }
0x2a: {  	p0 =	seq.s32 s5, $0x0;
	s5 =	sld [smem:$0x3FAD]  }
0x2b: {  	s6 =	sld [smem:$0x3FAE]  }
0x2c: {  	s7 =	sld [smem:$0x3FAF]  }
0x2d: {  	s3 =	simm.s32 $0x108;
	s8 =	sld [smem:$0x3FB0]  }
0x2e: {  	s3 =	simm.s32 @!p0 $0x1082;
	s9 =	sld [smem:$0x3FB1]  }
0x2f: {  	lr =	sadd.s32 s0, s3;
	s0 =	sld [smem:$0x3FA8]  }
0x30: {  	s3 =	sld [smem:$0x3FAB]  }
0x31: {  	[smem:$0x3FB4] =	sst s10  }
0x32: {  	s10 =	sld [smem:$0x3FB2];
	_ =	sdelay $0x3  }
0x33: {  	p0 =	seq.s32 s10, $0x1;
	s10 =	sld [smem:$0x3FB4];
	_ =	sdelay $0x3  }
0x34: {  	[smem:$0x3FB4] =	sst s10  }
0x35: {  	s10 =	sld [smem:$0x3FB3];
	_ =	sdelay $0x3  }
0x36: {  	p1 =	seq.s32 s10, $0x1;
	s10 =	sld [smem:$0x3FB4];
	_ =	sdelay $0x3  }
0x37: {  	[smem:$0x3FB4] =	sst s10  }
0x38: {  	s10 =	sld [smem:$0x3FB5]  }
0x39: {  	_ = 	snop;
	(pc) =	sbr.ind lr, $3  }
0x3a: {  	_ = 	snop  }
0x3b: {  	_ = 	snop  }
0x3c: {  	p2 =	seq.s32 s10, $0x1;
	s10 =	sld [smem:$0x3FB4]  }
0x3d: {  	_ =	shalt  }
0x3e: {  	_ =	shalt  }
0x3f: {  	_ =	shalt  }
0x40: {  	_ =	shalt  }
0x41: {  	_ =	shalt  }
0x42: {  	_ =	shalt  }
0x43: {  	_ =	shalt  }
0x44: {  	_ =	shalt  }
0x45: {  	_ =	shalt  }
0x46: {  	_ =	shalt  }
0x47: {  	_ =	shalt  }
0x48: {  	_ =	shalt  }
0x49: {  	_ =	shalt  }
0x4a: {  	_ =	shalt  }
0x4b: {  	_ =	shalt  }
0x4c: {  	_ =	shalt  }
0x4d: {  	_ =	shalt  }
0x4e: {  	_ =	shalt  }
0x4f: {  	_ =	shalt  }
0x50: {  	_ =	shalt  }
0x51: {  	_ =	shalt  }
0x52: {  	_ =	shalt  }
0x53: {  	_ =	shalt  }
0x54: {  	_ =	shalt  }
0x55: {  	_ =	shalt  }
0x56: {  	_ =	shalt  }
0x57: {  	_ =	shalt  }
0x58: {  	_ =	shalt  }
0x59: {  	_ =	shalt  }
0x5a: {  	_ =	shalt  }
0x5b: {  	_ =	shalt  }
0x5c: {  	_ =	shalt  }
0x5d: {  	_ =	shalt  }
0x5e: {  	_ =	shalt  }
0x5f: {  	_ =	shalt  }
0x60: {  	_ =	shalt  }
0x61: {  	_ =	shalt  }
0x62: {  	_ =	shalt  }
0x63: {  	_ =	shalt  }
0x64: {  	_ =	shalt  }
0x65: {  	_ =	shalt  }
0x66: {  	_ =	shalt  }
0x67: {  	_ =	shalt  }
0x68: {  	_ =	shalt  }
0x69: {  	_ =	shalt  }
0x6a: {  	_ =	shalt  }
0x6b: {  	_ =	shalt  }
0x6c: {  	_ =	shalt  }
0x6d: {  	_ =	shalt  }
0x6e: {  	_ =	shalt  }
0x6f: {  	_ =	shalt  }
0x70: {  	_ =	shalt  }
0x71: {  	_ =	shalt  }
0x72: {  	_ =	shalt  }
0x73: {  	_ =	shalt  }
0x74: {  	_ =	shalt  }
0x75: {  	_ =	shalt  }
0x76: {  	_ =	shalt  }
0x77: {  	_ =	shalt  }
0x78: {  	_ =	shalt  }
0x79: {  	_ =	shalt  }
0x7a: {  	_ =	shalt  }
0x7b: {  	_ =	shalt  }
0x7c: {  	_ =	shalt  }
0x7d: {  	_ =	shalt  }
0x7e: {  	_ =	shalt  }
0x7f: {  	_ =	shalt  }
0x80: {  	_ =	shalt  }
0x81: {  	_ =	shalt  }
0x82: {  	_ =	shalt  }
0x83: {  	_ =	shalt  }
0x84: {  	_ =	shalt  }
0x85: {  	_ =	shalt  }
0x86: {  	_ =	shalt  }
0x87: {  	_ =	shalt  }
.Lfunc_end0:
.L_simem_size_0:
called_computation_lowered:
.L_overlay_start_0:
0x88: {  	s2 =	sld [smem:$0x3FD9]  }
0x89: {  	s3 =	sld [smem:$0x3FFE];
	_ =	sdelay $0x1  }
0x8a: {  	s1 =	srdreg.scid  }
0x8b: {  	s0 =	sand.u32 $0x1, s1  }
0x8c: {  	s14 =	sshll.u32 s0, $0xA;
	s2 =	sadd.s32 s3, s2  }
0x8d: {  	s2 =	sadd.s32 s2, s14  }
0x8e: {  	[smem:$0x3FC0] =	sst s2  }
0x8f: {  	_ = 	snop  }
0x90: {  	s2 =	sld [smem:$0x3FD0];
	_ =	sdelay $0x2  }
0x91: {  	s15 =	simm.s32 $0xA;
	s4 =	simm.s32 $0x10  }
0x92: {  	[smem:s4], [sflag:s15] =	dma.local [hbm:s2], $0x1  }
0x93: {  	_ =	swait.eq [sflag:s15], $0x1  }
0x94: {  	[sflag:s15] =	ssyncset.done $0x0  }
0x95: {  	[sflag:s15] =	ssyncadd.s32 $0xFFFFFFFF  }
0x96: {  	s16 =	sld [smem:$0x10];
	(tm) =	ssettm $0x1  }
0x97: {  	s17 =	sld [smem:$0x3FFB];
	_ =	sdelay $0x3  }
0x98: {  	_ =	strace s17  }
0x99: {  	s3 =	sld [smem:$0x3FFC];
	_ =	sdelay $0x3  }
0x9a: {  	_ =	strace s3  }
0x9b: {  	s3 =	sld [smem:$0x3FFD];
	_ =	sdelay $0x3  }
0x9c: {  	_ =	strace s3  }
0x9d: {  	_ =	strace $0x8FFFFFFF  }
0x9e: {  	s18 =	sld [smem:$0x3FDB];
	_ =	sdelay $0x1  }
0x9f: {  	s19 =	simm.s32 $_scs_section_size  }
0xa0: {  	s5 =	simm.s32 $_size__tile_overlayer_lowered;
	s6 =	simm.s32 $_tile_overlayer_lowered  }
0xa1: {  	s22 =	simm.s32 $0x1BFF;
	s21 =	sshll.u32 s6, $0x1;
	s3 =	sadd.s32 s19, s18  }
0xa2: {  	s7 =	simm.s32 $0x0;
	s20 =	sshll.u32 s5, $0x1;
	s5 =	sadd.s32 s21, s3  }
0xa3: {  	[timem:s7], [sflag:s22] =	dma.local [hbm:s5], s20  }
0xa4: {  	_ =	swait.ge [sflag:s22], s20  }
0xa5: {  	s4 =	ssub.s32 $0x0, s20;
	[sflag:s22] =	ssyncset.done $0x0  }
0xa6: {  	[sflag:s22] =	ssyncadd.s32 s4;
	_ =	sdelay $0x1  }
0xa7: {  	s23 =	simm.s32 $0x1B8B  }
0xa8: {  	_ =	swait.ge [sflag:s23], $0x1  }
0xa9: {  	[sflag:s23] =	ssyncset.done $0x0  }
0xaa: {  	s25 =	simm.s32 $0x1B8E;
	s24 =	sld [smem:$0x3FFE];
	[sflag:s23] =	ssyncadd.s32 $0xFFFFFFFF  }
0xab: {  	s26 =	simm.s32 $execute0_lowered;
	[smem:$0x3FD2] =	sst s25  }
0xac: {  	s5 =	sshll.u32 s26, $0x1;
	_ =	strace $0x80000046;
	[dreg:$0x1] =	wrdreg $0xFFFFFFFF  }
0xad: {  	s28 =	simm.s32 $_size_execute0_lowered;
	s3 =	sadd.s32 s3, s5;
	[dreg:$0x0] =	wrdreg $0x0  }
0xae: {  	s5 =	sshll.u32 s28, $0x1;
	[dreg:$0x2] =	wrdreg s3  }
0xaf: {  	[dreg:$0x3] =	wrdreg s5  }
0xb0: {  	[dreg:$0x4] =	wrdreg $0xC0  }
0xb1: {  	_ =	task [dreg:s7], $0x5FFFF  }
0xb2: {  	[dreg:$0x1] =	wrdreg $0xFFFFFFFF  }
0xb3: {  	[dreg:$0x0] =	wrdreg $0x60  }
0xb4: {  	[dreg:$0x2] =	wrdreg s16  }
0xb5: {  	[dreg:$0x3] =	wrdreg s24  }
0xb6: {  	[dreg:$0x4] =	wrdreg $0x6000  }
0xb7: {  	[dreg:$0x5] =	wrdreg $0x9  }
0xb8: {  	_ =	task.clear_ibuf [dreg:s7], $0x6FFFF;
	_ =	strace $0x90000046  }
0xb9: {  	s29 =	simm.s32 $0x9;
	_ =	strace $0x80000048  }
0xba: {  	_ =	swait.ge [sflag:s29], $0x1  }
0xbb: {  	[sflag:s29] =	ssyncadd.s32 $0xFFFFFFFF  }
0xbc: {  	_ =	strace $0x90000048  }
0xbd: {  	_ =	sfence  }
0xbe: {  	s30 =	sld [smem:$0x0];
	_ =	sdelay $0x2  }
0xbf: {  	s31 =	sshll.u32 s1, $0xD;
	s1 =	sshrl.u32 s1, $0x2  }
0xc0: {  	s3 =	sand.u32 $0x4000, s31;
	s1 =	sadd.s32 s1, s30  }
0xc1: {  	s0 =	sor.u32 s3, s0;
	s1 =	sshll.u32 s1, $0x11  }
0xc2: {  	s0 =	sor.u32 s1, s0  }
0xc3: {  	s0 =	sadd.s32 $0x8F2B, s0  }
0xc4: {  	[sflag:s0] =	ssyncadd.remote.s32 $0x1  }
0xc5: {  	_ =	sfence.sel $0xFFFF  }
0xc6: {  	[dreg:$0x0] =	wrdreg $0xFFFFFFFF;
	(pc) =	sbr.abs _section_cstart, $3  }
0xc7: {  	[dreg:$0x1] =	wrdreg $0xFFFFFFFF  }
0xc8: {  	_ =	task.clear_ibuf [dreg:s7], $0x2FFFF;
	_ =	strace $0x9FFFFFFF  }
0xc9: {  	(tm) =	ssettm $0x7FFFFFFF  }
tec
execute0_lowered:
.L_overlay_start_1:
0x0: {  	(tag) =	ssettag $0x1  }
0x1: {  	s10 =	rddreg [dreg:$0x0]  }
0x2: {  	s4 =	rddreg [dreg:$0x1];
	s0 =	stileid.u32  }
0x3: {  	s1 =	srdreg.scid;
	s2 =	rddreg [dreg:$0x2];
	s3 =	simm.s32 $0x0  }
0x4: {  	s14 =	simm.s32 $0x400;
	s15 =	simm.s32 $0x1;
	s16 =	simm.s32 $0x2  }
0x5: {  	s17 =	simm.s32 $0x0;
	s6 =	sand.u32 $0x1, s1;
	s1 =	rddreg [dreg:$0x3]  }
0x6: {  	s5 =	smul.u32 $0x1880, s0;
	[smem:$0x7FF] =	sst s3;
	s12 =	sshll.u32 s0, $0x6  }
0x7: {  	s7 =	smul.u32 $0x18800, s6;
	_ =	strace $0x80000047;
	s9 =	ssub.s32 $0x2, s6  }
0x8: {  	s6 =	sshll.u32 s6, $0x4;
	s8 =	sshrl.u32 s5, $0x3;
	s31 =	sshrl.u32 s9, $0x1  }
0x9: {  	s6 =	sor.u32 s0, s6;
	s13 =	sadd.s32 s5, s2;
	s8 =	sadd.s32 s8, s4  }
0xa: {  	s11 =	sadd.s32 s5, s7;
	s9 =	ssub.s32 s9, s31;
	s6 =	smul.u32 $0x1880, s6  }
0xb: {  	s5 =	sor.u32 $0x1C03, s12;
	s12 =	simm.s32 $0x3;
	s7 =	sshrl.u32 s11, $0x3  }
0xc: {  	s7 =	sadd.s32 s7, s4;
	s4 =	sadd.s32 $0x1600, s8;
	s6 =	sadd.s32 s10, s6  }
0xd: {  	s8 =	smax.u32 s9, $0x1;
	s10 =	sadd.s32 s10, s11;
	s11 =	sshrl.u32 s13, $0x3  }
0xe: {  	v0 =	vimm.f32 $1.000000000e+00;
	s13 =	simm.s32 $0x200;
	s7 =	sadd.s32 $0x4800, s7;
	s9 =	sadd.s32 $0x1840, s6  }
.LBB2_1:
0xf: {  	[spmem:s11], [sflag:s5] =	dma.local [hbm:s4], $0x310  }
0x10: {  	_ =	swait.ge [sflag:s12], $0x310  }
0x11: {  	[sflag:s12] =	ssyncset.done $0x0  }
0x12: {  	[sflag:s12] =	ssyncadd.s32 $0xFFFFFCF0  }
0x13: {  	[tilespmem:$0x400] =	vst v0  }
0x14: {  	[tilespmem:$0x410] =	vst v0  }
0x15: {  	[tilespmem:$0x420] =	vst v0  }
0x16: {  	[tilespmem:$0x430] =	vst v0  }
0x17: {  	[tilespmem:$0x440] =	vst v0  }
0x18: {  	[tilespmem:$0x450] =	vst v0  }
0x19: {  	[tilespmem:$0x460] =	vst v0  }
0x1a: {  	[tilespmem:$0x470] =	vst v0  }
0x1b: {  	[tilespmem:$0x480] =	vst v0  }
0x1c: {  	[tilespmem:$0x490] =	vst v0  }
0x1d: {  	[tilespmem:$0x4A0] =	vst v0  }
0x1e: {  	[tilespmem:$0x4B0] =	vst v0  }
0x1f: {  	[tilespmem:$0x4C0] =	vst v0  }
0x20: {  	[tilespmem:$0x4D0] =	vst v0  }
0x21: {  	[tilespmem:$0x4E0] =	vst v0  }
0x22: {  	[tilespmem:$0x4F0] =	vst v0  }
0x23: {  	[tilespmem:$0x500] =	vst v0  }
0x24: {  	[tilespmem:$0x510] =	vst v0  }
0x25: {  	[tilespmem:$0x520] =	vst v0  }
0x26: {  	[tilespmem:$0x530] =	vst v0  }
0x27: {  	[tilespmem:$0x540] =	vst v0  }
0x28: {  	[tilespmem:$0x550] =	vst v0  }
0x29: {  	[tilespmem:$0x560] =	vst v0  }
0x2a: {  	[tilespmem:$0x570] =	vst v0  }
0x2b: {  	[tilespmem:$0x580] =	vst v0  }
0x2c: {  	[tilespmem:$0x590] =	vst v0  }
0x2d: {  	[tilespmem:$0x5A0] =	vst v0  }
0x2e: {  	[tilespmem:$0x5B0] =	vst v0  }
0x2f: {  	[tilespmem:$0x5C0] =	vst v0  }
0x30: {  	[tilespmem:$0x5D0] =	vst v0  }
0x31: {  	[tilespmem:$0x5E0] =	vst v0  }
0x32: {  	[tilespmem:$0x5F0] =	vst v0  }
0x33: {  	[bflag:$0x0] =	sbarrier.arrive $0xFFFF  }
0x34: {  	[tilespmem:s3], [sflag:$0x3] =	stream.linear.gather [hbm4b:s6+s3], $0x200, $0x38;
	[tilespmem:$0x1E80] =	vst v63  }
0x35: {  	_ =	swait.ge [sflag:s12], $0x200  }
0x36: {  	[sflag:s12] =	ssyncset.done $0x0  }
0x37: {  	s18 =	sadd.s32 $0xFFFFE800, s10;
	[sflag:s12] =	ssyncadd.s32 $0xFFFFFE00  }
0x38: {  	[spmem:s2] =	stream.indirect.scatter.add.f32 [tilespmem:s14], [sflag:$0x1], $0x1, s3, s13, $0xb8;
	[tilespmem:$0x1E80] =	vst v63  }
0x39: {  	s19 =	sadd.s32 $0x1840, s18  }
0x3a: {  	[tilespmem:s13], [sflag:$0x3] =	stream.linear.gather [hbm4b:s19+s3], $0x200, $0x38;
	[tilespmem:$0x1E80] =	vst v63  }
0x3b: {  	_ =	swait.ge [sflag:s12], $0x200  }
0x3c: {  	[sflag:s12] =	ssyncset.done $0x0  }
0x3d: {  	[sflag:s12] =	ssyncadd.s32 $0xFFFFFE00  }
0x3e: {  	_ =	swait.ge [sflag:s15], $0x200  }
0x3f: {  	[sflag:s15] =	ssyncset.done $0x0  }
0x40: {  	[sflag:s15] =	ssyncadd.s32 $0xFFFFFE00  }
0x41: {  	[spmem:s2] =	stream.indirect.scatter.add.f32 [tilespmem:s14], [sflag:$0x2], $0x1, s13, s13, $0xb8;
	[tilespmem:$0x1E80] =	vst v63  }
0x42: {  	s18 =	sadd.s32 $0x1880, s18  }
0x43: {  	[tilespmem:s3], [sflag:$0x3] =	stream.linear.gather [hbm4b:s18+s3], $0x200, $0x38;
	[tilespmem:$0x1E80] =	vst v63  }
0x44: {  	_ =	swait.ge [sflag:s12], $0x200  }
0x45: {  	[sflag:s12] =	ssyncset.done $0x0  }
0x46: {  	[sflag:s12] =	ssyncadd.s32 $0xFFFFFE00  }
0x47: {  	_ =	swait.ge [sflag:s16], $0x200  }
0x48: {  	s18 =	simm.s32 $0xFFFFE880;
	[sflag:s16] =	ssyncset.done $0x0  }
.LBB2_2:
0x49: {  	s20 =	smov.u32 s18  }
0x4a: {  	s19 =	sadd.s32 s18, s10;
	[sflag:s16] =	ssyncadd.s32 $0xFFFFFE00;
	s20 =	sadd.s32 $0x80, s18  }
0x4b: {  	[spmem:s2] =	stream.indirect.scatter.add.f32 [tilespmem:s14], [sflag:$0x1], $0x1, s3, s13, $0xb8;
	[tilespmem:$0x1E80] =	vst v63  }
0x4c: {  	p0 =	sne.s32 s18, $0xFFFFFF80;
	s21 =	sadd.s32 $0x1840, s19  }
0x4d: {  	[tilespmem:s13], [sflag:$0x3] =	stream.linear.gather [hbm4b:s21+s3], $0x200, $0x38;
	[tilespmem:$0x1E80] =	vst v63  }
0x4e: {  	_ =	swait.ge [sflag:s12], $0x200  }
0x4f: {  	[sflag:s12] =	ssyncset.done $0x0  }
0x50: {  	[sflag:s12] =	ssyncadd.s32 $0xFFFFFE00  }
0x51: {  	_ =	swait.ge [sflag:s15], $0x200  }
0x52: {  	[sflag:s15] =	ssyncset.done $0x0  }
0x53: {  	[sflag:s15] =	ssyncadd.s32 $0xFFFFFE00  }
0x54: {  	[spmem:s2] =	stream.indirect.scatter.add.f32 [tilespmem:s14], [sflag:$0x2], $0x1, s13, s13, $0xb8;
	[tilespmem:$0x1E80] =	vst v63  }
0x55: {  	s18 =	sadd.s32 $0x1880, s19  }
0x56: {  	[tilespmem:s3], [sflag:$0x3] =	stream.linear.gather [hbm4b:s18+s3], $0x200, $0x38;
	[tilespmem:$0x1E80] =	vst v63  }
.Ltmp0:
0x57: {  	_ =	swait.ge [sflag:s12], $0x200;
	(pc) =	sbr.rel @p0 .LBB2_2-.Ltmp0, $4  }
0x58: {  	[sflag:s12] =	ssyncset.done $0x0  }
0x59: {  	[sflag:s12] =	ssyncadd.s32 $0xFFFFFE00  }
0x5a: {  	_ =	swait.ge [sflag:s16], $0x200  }
0x5b: {  	s18 =	smov.u32 s20;
	[sflag:s16] =	ssyncset.done $0x0  }
0x5c: {  	[sflag:s16] =	ssyncadd.s32 $0xFFFFFE00  }
0x5d: {  	[spmem:s2] =	stream.indirect.scatter.add.f32 [tilespmem:s14], [sflag:$0x1], $0x1, s3, s13, $0xb8;
	[tilespmem:$0x1E80] =	vst v63  }
0x5e: {  	_ = 	snop  }
0x5f: {  	[tilespmem:s13], [sflag:$0x3] =	stream.linear.gather [hbm4b:s9+s3], $0x200, $0x38;
	[tilespmem:$0x1E80] =	vst v63  }
0x60: {  	_ =	swait.ge [sflag:s12], $0x200  }
0x61: {  	[sflag:s12] =	ssyncset.done $0x0  }
0x62: {  	[sflag:s12] =	ssyncadd.s32 $0xFFFFFE00  }
0x63: {  	_ =	swait.ge [sflag:s15], $0x200  }
0x64: {  	[sflag:s15] =	ssyncset.done $0x0  }
0x65: {  	[sflag:s15] =	ssyncadd.s32 $0xFFFFFE00  }
0x66: {  	[spmem:s2] =	stream.indirect.scatter.add.f32 [tilespmem:s14], [sflag:$0x2], $0x1, s13, s13, $0xb8;
	[tilespmem:$0x1E80] =	vst v63  }
0x67: {  	_ =	swait.ge [sflag:s16], $0x200  }
0x68: {  	s17 =	sadd.s32 $0x1, s17;
	[sflag:s16] =	ssyncset.done $0x0  }
0x69: {  	p0 =	sne.s32 s17, s8;
	[sflag:s16] =	ssyncadd.s32 $0xFFFFFE00  }
.Ltmp1:
0x6a: {  	[bflag:$0x0] =	sbarrier.arrive $0xFFFF;
	(pc) =	sbr.rel @p0 .LBB2_1-.Ltmp1, $4  }
0x6b: {  	[hbm:s7], [sflag:s5] =	dma.local [spmem:s11], $0x310  }
0x6c: {  	_ =	swait.ge [sflag:s12], $0x310  }
0x6d: {  	[sflag:s12] =	ssyncset.done $0x0  }
0x6e: {  	[sflag:s12] =	ssyncadd.s32 $0xFFFFFCF0  }
0x6f: {  	_ =	sfence.sel $0x180000  }
0x70: {  	[bflag:$0x0] =	sbarrier.arrive $0xFFFF  }
0x71: {  	p0 =	sne.s32 s0, $0x0;
	_ =	strace $0x90000047  }
0x72: {  	s0 =	sadd.s32 @!p0 $0x100000, s1;
	[bflag:$0x2] =	sbarrier.arrive $0xFFFF  }
0x73: {  	[sflag:s0] =	ssyncadd.tile.s32 @!p0 $0x1;
	_ =	shalt  }
.Lfunc_end2:
_tile_overlayer_lowered:
.L_overlay_start_2:
0x74: {  	(tag) =	ssettag $0x2  }
0x75: {  	s0 =	rddreg [dreg:$0x0];
	s2 =	stileid.u32  }
0x76: {  	s1 =	rddreg [dreg:$0x1];
	p0 =	sne.s32 s2, $0x0  }
0x77: {  	s3 =	rddreg [dreg:$0x2];
	[bflag:$0x3] =	sbarrier.arrive $0xFFFF;
	s2 =	simm.s32 @!p0 $0x1C03  }
0x78: {  	[timem:s3], [sflag:s2] =	dma.local @!p0 [hbm:s0], s1  }
0x79: {  	s0 =	simm.s32 @!p0 $0x3  }
0x7a: {  	_ =	swait.ge @!p0 [sflag:s0], s1  }
0x7b: {  	s1 =	ssub.s32 @!p0 $0x0, s1;
	[sflag:s0] =	ssyncset.done @!p0 $0x0  }
0x7c: {  	[sflag:s0] =	ssyncadd.s32 @!p0 s1  }
0x7d: {  	[bflag:$0x3] =	sbarrier.arrive $0xFFFF  }
0x7e: {  	_ =	shalt  }

</sc_bundles>
